<compile_context>
chip_gen: v7x
topology: tpu7x:2x2x1
jax: 0.10.2.dev20260603
libtpu: 0.0.44.dev20260713+nightly
codegen_flags: <defaults>
</compile_context>

<pallas_src>
import functools

import jax
import jax.numpy as jnp
from jax import lax
from jax.experimental import pallas as pl
from jax.experimental.pallas import tpu as pltpu
from jax.experimental.pallas import tpu_sc as plsc

N = 10000
E = 320000
D = 128
H = 64
R = 8

RP = 5
NC = 2
NS = 16
NW = NC * NS
C = 80
NCH = 129
EPT = NCH * C
EPAD = NW * EPT - E - N
NBUF = 4
ROWS_PT = 640
NP = NS * ROWS_PT


def _i0():
    return jnp.int32(0)


def _z_body(x_ref, w_ref, b_ref, z_ref):
    za = lax.dot_general(
        x_ref[...], w_ref[0, 0], (((1,), (1,)), ((), ())),
        preferred_element_type=jnp.float32,
    ) + b_ref[0, 0]
    zb = lax.dot_general(
        x_ref[...], w_ref[0, 1], (((1,), (1,)), ((), ())),
        preferred_element_type=jnp.float32,
    ) + b_ref[0, 1]
    z_ref[...] = jnp.concatenate([za, zb], axis=1)


def _z_packed(x, w_pairs, b_pairs):
    return pl.pallas_call(
        _z_body,
        grid=(RP,),
        in_specs=[
            pl.BlockSpec((N, D), lambda r: (_i0(), _i0())),
            pl.BlockSpec((1, 2, H, D), lambda r: (r, _i0(), _i0(), _i0())),
            pl.BlockSpec((1, 2, 1, H), lambda r: (r, _i0(), _i0(), _i0())),
        ],
        out_specs=pl.BlockSpec((N, 2 * H), lambda r: (r, _i0())),
        out_shape=jax.ShapeDtypeStruct((RP * N, 2 * H), jnp.float32),
    )(x, w_pairs, b_pairs)


def _sc_body(z_hbm, rct_hbm, zer_hbm, out_hbm,
             gidx_v, col_v, row_v, typ_v, rows_v, acc_sh, *sems):
    c = lax.axis_index("c")
    s = lax.axis_index("s")
    wid = c * NS + s

    pltpu.sync_copy(rct_hbm.at[jnp.int32(0), wid], row_v)
    pltpu.sync_copy(rct_hbm.at[jnp.int32(1), wid], col_v)
    pltpu.sync_copy(rct_hbm.at[jnp.int32(2), wid], typ_v)

    pltpu.sync_copy(zer_hbm.at[pl.ds(s * ROWS_PT, ROWS_PT)],
                    acc_sh.at[pl.ds(s * ROWS_PT, ROWS_PT)])

    def _gi(j, carry):
        for k in range(C // 16):
            sl = pl.ds(k * 16, 16)
            tv = typ_v[j, sl]
            gidx_v[j, sl] = ((tv >> 1) * (2 * N) + (tv & 1)
                             + row_v[j, sl] * 2)
        return carry

    lax.fori_loop(jnp.int32(0), jnp.int32(NCH), _gi, jnp.int32(0))
    plsc.subcore_barrier()

    for b in range(NBUF):
        jb = jnp.int32(b)
        pltpu.async_copy(z_hbm.at[gidx_v.at[jb]], rows_v.at[jb], sems[b])

    def _group(kk, carry):
        g0 = kk * NBUF
        for b in range(NBUF):
            j = g0 + b
            jb = jnp.int32(b)

            @pl.when(j < NCH)
            def _():
                pltpu.make_async_copy(
                    z_hbm.at[gidx_v.at[jb]], rows_v.at[jb], sems[b]).wait()
                pltpu.sync_copy(rows_v.at[jb], acc_sh.at[col_v.at[j]], add=True)

                @pl.when(j + NBUF < NCH)
                def _():
                    pltpu.async_copy(
                        z_hbm.at[gidx_v.at[j + NBUF]], rows_v.at[jb], sems[b])
        return carry

    ngroups = (NCH + NBUF - 1) // NBUF
    lax.fori_loop(jnp.int32(0), jnp.int32(ngroups), _group, jnp.int32(0))
    plsc.subcore_barrier()

    pltpu.sync_copy(acc_sh.at[pl.ds(s * ROWS_PT, ROWS_PT)],
                    out_hbm.at[c, pl.ds(s * ROWS_PT, ROWS_PT)])


_scatter = functools.partial(
    pl.kernel,
    out_type=jax.ShapeDtypeStruct((NC, NP, H), jnp.float32),
    mesh=plsc.VectorSubcoreMesh(core_axis_name="c", subcore_axis_name="s"),
    compiler_params=pltpu.CompilerParams(use_tc_tiling_on_sc=False),
    scratch_types=[
        pltpu.VMEM((NCH, C), jnp.int32),
        pltpu.VMEM((NCH, C), jnp.int32),
        pltpu.VMEM((NCH, C), jnp.int32),
        pltpu.VMEM((NCH, C), jnp.int32),
        pltpu.VMEM((NBUF, C, H), jnp.float32),
        pltpu.VMEM_SHARED((NP, H), jnp.float32),
    ] + [pltpu.SemaphoreType.DMA] * NBUF,
)(_sc_body)


def _comb_body(a_ref, w_ref, b_ref, o_ref):
    h = jnp.maximum(a_ref[0] + a_ref[1], 0.0)
    o_ref[...] = (
        lax.dot_general(
            h, w_ref[...], (((1,), (0,)), ((), ())),
            preferred_element_type=jnp.float32,
        )
        + b_ref[0, 0]
    )


def _combine(acc_p, w2, out_b):
    return pl.pallas_call(
        _comb_body,
        grid=(1,),
        in_specs=[
            pl.BlockSpec((NC, NP // 2, 2 * H), lambda g: (_i0(), _i0(), _i0())),
            pl.BlockSpec((2 * H, 2), lambda g: (_i0(), _i0())),
            pl.BlockSpec((1, 1), lambda g: (_i0(), _i0())),
        ],
        out_specs=pl.BlockSpec((NP // 2, 2), lambda g: (_i0(), _i0())),
        out_shape=jax.ShapeDtypeStruct((NP // 2, 2), jnp.float32),
    )(acc_p, w2, out_b.reshape(1, 1))


def kernel(x, edge_index, edge_type, rel_W, rel_b, self_W, self_b, out_W, out_b):
    x = x.astype(jnp.float32)
    selfv = jnp.arange(N, dtype=jnp.int32)
    main = jnp.stack([edge_index[0], edge_index[1], edge_type]).astype(jnp.int32)
    selfb = jnp.stack([selfv, selfv, jnp.full((N,), R, jnp.int32)])
    padb = jnp.stack([jnp.zeros((EPAD,), jnp.int32),
                      jnp.full((EPAD,), N, jnp.int32),
                      jnp.zeros((EPAD,), jnp.int32)])
    rct = jnp.concatenate([main, selfb, padb], axis=1).reshape(3, NW, NCH, C)

    w_pairs = jnp.concatenate(
        [rel_W, self_W[None], jnp.zeros((1, H, D), jnp.float32)]
    ).reshape(RP, 2, H, D)
    b_pairs = jnp.concatenate(
        [rel_b, self_b[None], jnp.zeros((1, H), jnp.float32)]
    ).reshape(RP, 2, 1, H)

    z_packed = _z_packed(x, w_pairs, b_pairs)
    z2d = z_packed.reshape(2 * RP * N, H)
    zeros = jnp.zeros((NP, H), jnp.float32)
    acc = _scatter(z2d, rct, zeros)
    acc_p = acc.reshape(NC, NP // 2, 2 * H)
    w2 = jnp.zeros((2 * H, 2), jnp.float32)
    w2 = w2.at[:H, 0].set(out_W[0]).at[H:, 1].set(out_W[0])
    y = _combine(acc_p, w2, out_b)
    return y.reshape(NP)[:N]

# --- scband reference (transcript-rebuilt; emitter-appended) ---
"""Pipeline reference for scband-rel-graph-sage-3332894621742 (READ-ONLY COPY).

The authoritative reference and input builder live on the scoring server;
editing this copy changes nothing except your own understanding.
"""

import jax, jax.numpy as jnp
import numpy as np
jax.config.update("jax_enable_x64", True)

N = 10000
E = 320000
D = 128
H = 64
R = 8

def setup_inputs(seed: int = 0) -> dict:
    key = jax.random.key(seed)
    ks = jax.random.split(key, 10)
    x = jax.random.normal(ks[0], (N, D), dtype=jnp.float32)
    edge_index = jax.random.randint(ks[1], (2, E), 0, N, dtype=jnp.int64)
    edge_type = jax.random.randint(ks[2], (E,), 0, R, dtype=jnp.int64)
    # learned parameters (torch nn.Linear: weight [out,in], bias [out])
    rel_W = jax.random.normal(ks[3], (R, H, D), dtype=jnp.float32) * 0.05
    rel_b = jax.random.normal(ks[4], (R, H), dtype=jnp.float32) * 0.05
    self_W = jax.random.normal(ks[5], (H, D), dtype=jnp.float32) * 0.05
    self_b = jax.random.normal(ks[6], (H,), dtype=jnp.float32) * 0.05
    out_W = jax.random.normal(ks[7], (1, H), dtype=jnp.float32) * 0.05
    out_b = jax.random.normal(ks[8], (1,), dtype=jnp.float32) * 0.05
    return {"x": x, "edge_index": edge_index, "edge_type": edge_type,
            "rel_W": rel_W, "rel_b": rel_b, "self_W": self_W, "self_b": self_b,
            "out_W": out_W, "out_b": out_b}

def reference(x, edge_index, edge_type, rel_W, rel_b, self_W, self_b, out_W, out_b):
    row = edge_index[0]
    col = edge_index[1]
    out = jnp.zeros((x.shape[0], H), dtype=x.dtype)
    gx = x[row]
    for rel in range(R):
        mask = edge_type == rel
        messages = gx @ rel_W[rel].T + rel_b[rel]
        messages = jnp.where(mask[:, None], messages, jnp.zeros_like(messages))
        out = out.at[col].add(messages)
    out = out + x @ self_W.T + self_b
    out = jax.nn.relu(out)
    return (out @ out_W.T + out_b).squeeze(-1)

if __name__ == "__main__":
    import jax
    _d = setup_inputs()
    print(jax.jit(kernel)(*tuple(_d.values())))

</pallas_src>

<mosaic_0001>
#map = affine_map<(d0, d1) -> (0, 0)>
#map1 = affine_map<(d0, d1) -> (0, 0, 0, 0)>
#map2 = affine_map<(d0, d1) -> (0, 0, 0)>
module attributes {stable_mosaic.version = 14 : i64} {
  func.func @_sc_body(%arg0: i32, %arg1: i32, %arg2: memref<100000x64xf32, #tpu.memory_space<hbm>>, %arg3: memref<3x32x129x80xi32, #tpu.memory_space<hbm>>, %arg4: memref<10240x64xf32, #tpu.memory_space<hbm>>, %arg5: memref<2x10240x64xf32, #tpu.memory_space<hbm>>, %arg6: memref<129x80xi32, #tpu.memory_space<vmem>>, %arg7: memref<129x80xi32, #tpu.memory_space<vmem>>, %arg8: memref<129x80xi32, #tpu.memory_space<vmem>>, %arg9: memref<129x80xi32, #tpu.memory_space<vmem>>, %arg10: memref<4x80x64xf32, #tpu.memory_space<vmem>>, %arg11: memref<10240x64xf32, #tpu.memory_space<vmem_shared>>, %arg12: memref<!tpu.dma_semaphore, #tpu.memory_space<semaphore_mem>>, %arg13: memref<!tpu.dma_semaphore, #tpu.memory_space<semaphore_mem>>, %arg14: memref<!tpu.dma_semaphore, #tpu.memory_space<semaphore_mem>>, %arg15: memref<!tpu.dma_semaphore, #tpu.memory_space<semaphore_mem>>) attributes {dimension_semantics = [#tpu.dimension_semantics<core_parallel>, #tpu.dimension_semantics<subcore_parallel>], iteration_bounds = array<i64: 2, 16>, scalar_prefetch = 0 : i64, scratch_operands = 10 : i64, tpu.core_type = #tpu.core_type<sc_vector_subcore>, window_params = [{transform_indices = #map}, {transform_indices = #map1}, {transform_indices = #map}, {transform_indices = #map2}]} {
    %mul3A = arith.constant 16 : i32
    %mul3A_0 = arith.muli %arg0, %mul3A : i32
    %add3A = arith.addi %mul3A_0, %arg1 : i32
    %run_scoped3A = arith.constant 0 : i32
    "tpu.region"() ({
      %run_scoped3A_80 = tpu.sem_alloc : memref<!tpu.dma_semaphore, #tpu.memory_space<semaphore_mem>>
      %dma_start3A_81 = arith.constant 0 : i32
      %dma_start3A_82 = arith.constant 0 : i32
      %dma_start3A_83 = tpu.memref_slice %arg3[%run_scoped3A, %add3A, %dma_start3A_81, %dma_start3A_82] : memref<3x32x129x80xi32, #tpu.memory_space<hbm>> -> memref<1x1x129x80xi32, #tpu.memory_space<hbm>>
      %dma_start3A_84 = tpu.memref_squeeze %dma_start3A_83 : memref<1x1x129x80xi32, #tpu.memory_space<hbm>> -> memref<129x80xi32, #tpu.memory_space<hbm>>
      %dma_start3A_85 = arith.constant 0 : i32
      %dma_start3A_86 = arith.constant 0 : i32
      %dma_start3A_87 = tpu.memref_slice %arg3[%run_scoped3A, %add3A, %dma_start3A_85, %dma_start3A_86] : memref<3x32x129x80xi32, #tpu.memory_space<hbm>> -> memref<1x1x129x80xi32, #tpu.memory_space<hbm>>
      %dma_start3A_88 = tpu.memref_squeeze %dma_start3A_87 : memref<1x1x129x80xi32, #tpu.memory_space<hbm>> -> memref<129x80xi32, #tpu.memory_space<hbm>>
      tpu.enqueue_dma source(%dma_start3A_88 : memref<129x80xi32, #tpu.memory_space<hbm>>) target(%arg8 : memref<129x80xi32, #tpu.memory_space<vmem>>) target_semaphore(%run_scoped3A_80 : memref<!tpu.dma_semaphore, #tpu.memory_space<semaphore_mem>>)
      %dma_wait3A = arith.constant 0 : i32
      %dma_wait3A_89 = arith.constant 0 : i32
      %dma_wait3A_90 = tpu.memref_slice %arg3[%run_scoped3A, %add3A, %dma_wait3A, %dma_wait3A_89] : memref<3x32x129x80xi32, #tpu.memory_space<hbm>> -> memref<1x1x129x80xi32, #tpu.memory_space<hbm>>
      %dma_wait3A_91 = tpu.memref_squeeze %dma_wait3A_90 : memref<1x1x129x80xi32, #tpu.memory_space<hbm>> -> memref<129x80xi32, #tpu.memory_space<hbm>>
      %dma_wait3A_92 = arith.constant 0 : i32
      %dma_wait3A_93 = arith.constant 0 : i32
      %dma_wait3A_94 = tpu.memref_slice %arg3[%run_scoped3A, %add3A, %dma_wait3A_92, %dma_wait3A_93] : memref<3x32x129x80xi32, #tpu.memory_space<hbm>> -> memref<1x1x129x80xi32, #tpu.memory_space<hbm>>
      %dma_wait3A_95 = tpu.memref_squeeze %dma_wait3A_94 : memref<1x1x129x80xi32, #tpu.memory_space<hbm>> -> memref<129x80xi32, #tpu.memory_space<hbm>>
      tpu.wait_dma2 semaphore(%run_scoped3A_80 : memref<!tpu.dma_semaphore, #tpu.memory_space<semaphore_mem>>) src(%dma_wait3A_95 : memref<129x80xi32, #tpu.memory_space<hbm>>) dst(%arg8 : memref<129x80xi32, #tpu.memory_space<vmem>>)
      tpu.yield
    }) : () -> ()
    %run_scoped3A_1 = arith.constant 1 : i32
    "tpu.region"() ({
      %run_scoped3A_80 = tpu.sem_alloc : memref<!tpu.dma_semaphore, #tpu.memory_space<semaphore_mem>>
      %dma_start3A_81 = arith.constant 0 : i32
      %dma_start3A_82 = arith.constant 0 : i32
      %dma_start3A_83 = tpu.memref_slice %arg3[%run_scoped3A_1, %add3A, %dma_start3A_81, %dma_start3A_82] : memref<3x32x129x80xi32, #tpu.memory_space<hbm>> -> memref<1x1x129x80xi32, #tpu.memory_space<hbm>>
      %dma_start3A_84 = tpu.memref_squeeze %dma_start3A_83 : memref<1x1x129x80xi32, #tpu.memory_space<hbm>> -> memref<129x80xi32, #tpu.memory_space<hbm>>
      %dma_start3A_85 = arith.constant 0 : i32
      %dma_start3A_86 = arith.constant 0 : i32
      %dma_start3A_87 = tpu.memref_slice %arg3[%run_scoped3A_1, %add3A, %dma_start3A_85, %dma_start3A_86] : memref<3x32x129x80xi32, #tpu.memory_space<hbm>> -> memref<1x1x129x80xi32, #tpu.memory_space<hbm>>
      %dma_start3A_88 = tpu.memref_squeeze %dma_start3A_87 : memref<1x1x129x80xi32, #tpu.memory_space<hbm>> -> memref<129x80xi32, #tpu.memory_space<hbm>>
      tpu.enqueue_dma source(%dma_start3A_88 : memref<129x80xi32, #tpu.memory_space<hbm>>) target(%arg7 : memref<129x80xi32, #tpu.memory_space<vmem>>) target_semaphore(%run_scoped3A_80 : memref<!tpu.dma_semaphore, #tpu.memory_space<semaphore_mem>>)
      %dma_wait3A = arith.constant 0 : i32
      %dma_wait3A_89 = arith.constant 0 : i32
      %dma_wait3A_90 = tpu.memref_slice %arg3[%run_scoped3A_1, %add3A, %dma_wait3A, %dma_wait3A_89] : memref<3x32x129x80xi32, #tpu.memory_space<hbm>> -> memref<1x1x129x80xi32, #tpu.memory_space<hbm>>
      %dma_wait3A_91 = tpu.memref_squeeze %dma_wait3A_90 : memref<1x1x129x80xi32, #tpu.memory_space<hbm>> -> memref<129x80xi32, #tpu.memory_space<hbm>>
      %dma_wait3A_92 = arith.constant 0 : i32
      %dma_wait3A_93 = arith.constant 0 : i32
      %dma_wait3A_94 = tpu.memref_slice %arg3[%run_scoped3A_1, %add3A, %dma_wait3A_92, %dma_wait3A_93] : memref<3x32x129x80xi32, #tpu.memory_space<hbm>> -> memref<1x1x129x80xi32, #tpu.memory_space<hbm>>
      %dma_wait3A_95 = tpu.memref_squeeze %dma_wait3A_94 : memref<1x1x129x80xi32, #tpu.memory_space<hbm>> -> memref<129x80xi32, #tpu.memory_space<hbm>>
      tpu.wait_dma2 semaphore(%run_scoped3A_80 : memref<!tpu.dma_semaphore, #tpu.memory_space<semaphore_mem>>) src(%dma_wait3A_95 : memref<129x80xi32, #tpu.memory_space<hbm>>) dst(%arg7 : memref<129x80xi32, #tpu.memory_space<vmem>>)
      tpu.yield
    }) : () -> ()
    %run_scoped3A_2 = arith.constant 2 : i32
    "tpu.region"() ({
      %run_scoped3A_80 = tpu.sem_alloc : memref<!tpu.dma_semaphore, #tpu.memory_space<semaphore_mem>>
      %dma_start3A_81 = arith.constant 0 : i32
      %dma_start3A_82 = arith.constant 0 : i32
      %dma_start3A_83 = tpu.memref_slice %arg3[%run_scoped3A_2, %add3A, %dma_start3A_81, %dma_start3A_82] : memref<3x32x129x80xi32, #tpu.memory_space<hbm>> -> memref<1x1x129x80xi32, #tpu.memory_space<hbm>>
      %dma_start3A_84 = tpu.memref_squeeze %dma_start3A_83 : memref<1x1x129x80xi32, #tpu.memory_space<hbm>> -> memref<129x80xi32, #tpu.memory_space<hbm>>
      %dma_start3A_85 = arith.constant 0 : i32
      %dma_start3A_86 = arith.constant 0 : i32
      %dma_start3A_87 = tpu.memref_slice %arg3[%run_scoped3A_2, %add3A, %dma_start3A_85, %dma_start3A_86] : memref<3x32x129x80xi32, #tpu.memory_space<hbm>> -> memref<1x1x129x80xi32, #tpu.memory_space<hbm>>
      %dma_start3A_88 = tpu.memref_squeeze %dma_start3A_87 : memref<1x1x129x80xi32, #tpu.memory_space<hbm>> -> memref<129x80xi32, #tpu.memory_space<hbm>>
      tpu.enqueue_dma source(%dma_start3A_88 : memref<129x80xi32, #tpu.memory_space<hbm>>) target(%arg9 : memref<129x80xi32, #tpu.memory_space<vmem>>) target_semaphore(%run_scoped3A_80 : memref<!tpu.dma_semaphore, #tpu.memory_space<semaphore_mem>>)
      %dma_wait3A = arith.constant 0 : i32
      %dma_wait3A_89 = arith.constant 0 : i32
      %dma_wait3A_90 = tpu.memref_slice %arg3[%run_scoped3A_2, %add3A, %dma_wait3A, %dma_wait3A_89] : memref<3x32x129x80xi32, #tpu.memory_space<hbm>> -> memref<1x1x129x80xi32, #tpu.memory_space<hbm>>
      %dma_wait3A_91 = tpu.memref_squeeze %dma_wait3A_90 : memref<1x1x129x80xi32, #tpu.memory_space<hbm>> -> memref<129x80xi32, #tpu.memory_space<hbm>>
      %dma_wait3A_92 = arith.constant 0 : i32
      %dma_wait3A_93 = arith.constant 0 : i32
      %dma_wait3A_94 = tpu.memref_slice %arg3[%run_scoped3A_2, %add3A, %dma_wait3A_92, %dma_wait3A_93] : memref<3x32x129x80xi32, #tpu.memory_space<hbm>> -> memref<1x1x129x80xi32, #tpu.memory_space<hbm>>
      %dma_wait3A_95 = tpu.memref_squeeze %dma_wait3A_94 : memref<1x1x129x80xi32, #tpu.memory_space<hbm>> -> memref<129x80xi32, #tpu.memory_space<hbm>>
      tpu.wait_dma2 semaphore(%run_scoped3A_80 : memref<!tpu.dma_semaphore, #tpu.memory_space<semaphore_mem>>) src(%dma_wait3A_95 : memref<129x80xi32, #tpu.memory_space<hbm>>) dst(%arg9 : memref<129x80xi32, #tpu.memory_space<vmem>>)
      tpu.yield
    }) : () -> ()
    %mul3A_3 = arith.constant 640 : i32
    %mul3A_4 = arith.muli %arg1, %mul3A_3 : i32
    %mul3A_5 = arith.constant 640 : i32
    %mul3A_6 = arith.muli %arg1, %mul3A_5 : i32
    "tpu.region"() ({
      %run_scoped3A_80 = tpu.sem_alloc : memref<!tpu.dma_semaphore, #tpu.memory_space<semaphore_mem>>
      %dma_start3A_81 = arith.constant 0 : i32
      %dma_start3A_82 = tpu.memref_slice %arg11[%mul3A_6, %dma_start3A_81] : memref<10240x64xf32, #tpu.memory_space<vmem_shared>> -> memref<640x64xf32, #tpu.memory_space<vmem_shared>>
      %dma_start3A_83 = arith.constant 0 : i32
      %dma_start3A_84 = tpu.memref_slice %arg4[%mul3A_4, %dma_start3A_83] : memref<10240x64xf32, #tpu.memory_space<hbm>> -> memref<640x64xf32, #tpu.memory_space<hbm>>
      tpu.enqueue_dma source(%dma_start3A_84 : memref<640x64xf32, #tpu.memory_space<hbm>>) target(%dma_start3A_82 : memref<640x64xf32, #tpu.memory_space<vmem_shared>>) target_semaphore(%run_scoped3A_80 : memref<!tpu.dma_semaphore, #tpu.memory_space<semaphore_mem>>)
      %dma_wait3A = arith.constant 0 : i32
      %dma_wait3A_85 = tpu.memref_slice %arg11[%mul3A_6, %dma_wait3A] : memref<10240x64xf32, #tpu.memory_space<vmem_shared>> -> memref<640x64xf32, #tpu.memory_space<vmem_shared>>
      %dma_wait3A_86 = arith.constant 0 : i32
      %dma_wait3A_87 = tpu.memref_slice %arg4[%mul3A_4, %dma_wait3A_86] : memref<10240x64xf32, #tpu.memory_space<hbm>> -> memref<640x64xf32, #tpu.memory_space<hbm>>
      tpu.wait_dma2 semaphore(%run_scoped3A_80 : memref<!tpu.dma_semaphore, #tpu.memory_space<semaphore_mem>>) src(%dma_wait3A_87 : memref<640x64xf32, #tpu.memory_space<hbm>>) dst(%dma_wait3A_85 : memref<640x64xf32, #tpu.memory_space<vmem_shared>>)
      tpu.yield
    }) : () -> ()
    %while3A = arith.constant 0 : i32
    %while3A_7 = arith.constant 0 : i32
    %while3A_8 = arith.constant 129 : i32
    %while3A_9 = arith.subi %while3A_8, %while3A_7 : i32
    %while3A_10 = arith.addi %while3A_7, %while3A_9 : i32
    %while3A_11 = arith.constant 1 : i32
    %while3A_12 = arith.divsi %while3A_9, %while3A_11 : i32
    %while3A_13 = arith.muli %while3A_12, %while3A_11 : i32
    %while3A_14 = arith.addi %while3A_7, %while3A_13 : i32
    %while3A_15 = arith.constant 1 : i32
    scf.for %while3A_80 = %while3A_7 to %while3A_14 step %while3A_15  : i32 {
      %get3A = arith.index_cast %while3A_80 : i32 to index
      %get3A_81 = arith.constant 0 : index
      %get3A_82 = tpu.vector_load %arg9[%get3A, %get3A_81] {strides = array<i32>} : memref<129x80xi32, #tpu.memory_space<vmem>>, vector<1x16xi32>,
      %get3A_83 = vector.shape_cast %get3A_82 : vector<1x16xi32> to vector<16xi32>
      %shift_right_arithmetic3A = arith.constant 1 : i32
      %shift_right_arithmetic3A_84 = vector.broadcast %shift_right_arithmetic3A : i32 to vector<16xi32>
      %shift_right_arithmetic3A_85 = arith.shrsi %get3A_83, %shift_right_arithmetic3A_84 : vector<16xi32>
      %mul3A_86 = arith.constant 20000 : i32
      %mul3A_87 = vector.broadcast %mul3A_86 : i32 to vector<16xi32>
      %mul3A_88 = arith.muli %shift_right_arithmetic3A_85, %mul3A_87 : vector<16xi32>
      %and3A = arith.constant 1 : i32
      %and3A_89 = vector.broadcast %and3A : i32 to vector<16xi32>
      %and3A_90 = arith.andi %get3A_83, %and3A_89 : vector<16xi32>
      %add3A_91 = arith.addi %mul3A_88, %and3A_90 : vector<16xi32>
      %get3A_92 = arith.index_cast %while3A_80 : i32 to index
      %get3A_93 = arith.constant 0 : index
      %get3A_94 = tpu.vector_load %arg8[%get3A_92, %get3A_93] {strides = array<i32>} : memref<129x80xi32, #tpu.memory_space<vmem>>, vector<1x16xi32>,
      %get3A_95 = vector.shape_cast %get3A_94 : vector<1x16xi32> to vector<16xi32>
      %mul3A_96 = arith.constant 2 : i32
      %mul3A_97 = vector.broadcast %mul3A_96 : i32 to vector<16xi32>
      %mul3A_98 = arith.muli %get3A_95, %mul3A_97 : vector<16xi32>
      %add3A_99 = arith.addi %add3A_91, %mul3A_98 : vector<16xi32>
      %swap3A = arith.index_cast %while3A_80 : i32 to index
      %swap3A_100 = arith.constant 0 : index
      %swap3A_101 = tpu.vector_load %arg6[%swap3A, %swap3A_100] {strides = array<i32>} : memref<129x80xi32, #tpu.memory_space<vmem>>, vector<1x16xi32>,
      %swap3A_102 = vector.shape_cast %swap3A_101 : vector<1x16xi32> to vector<16xi32>
      %swap3A_103 = vector.shape_cast %add3A_99 : vector<16xi32> to vector<1x16xi32>
      tpu.vector_store %arg6[%swap3A, %swap3A_100], %swap3A_103 {strides = array<i32>} : memref<129x80xi32, #tpu.memory_space<vmem>>, vector<1x16xi32>,
      %get3A_104 = arith.index_cast %while3A_80 : i32 to index
      %get3A_105 = arith.constant 16 : index
      %get3A_106 = tpu.vector_load %arg9[%get3A_104, %get3A_105] {strides = array<i32>} : memref<129x80xi32, #tpu.memory_space<vmem>>, vector<1x16xi32>,
      %get3A_107 = vector.shape_cast %get3A_106 : vector<1x16xi32> to vector<16xi32>
      %shift_right_arithmetic3A_108 = arith.constant 1 : i32
      %shift_right_arithmetic3A_109 = vector.broadcast %shift_right_arithmetic3A_108 : i32 to vector<16xi32>
      %shift_right_arithmetic3A_110 = arith.shrsi %get3A_107, %shift_right_arithmetic3A_109 : vector<16xi32>
      %mul3A_111 = arith.constant 20000 : i32
      %mul3A_112 = vector.broadcast %mul3A_111 : i32 to vector<16xi32>
      %mul3A_113 = arith.muli %shift_right_arithmetic3A_110, %mul3A_112 : vector<16xi32>
      %and3A_114 = arith.constant 1 : i32
      %and3A_115 = vector.broadcast %and3A_114 : i32 to vector<16xi32>
      %and3A_116 = arith.andi %get3A_107, %and3A_115 : vector<16xi32>
      %add3A_117 = arith.addi %mul3A_113, %and3A_116 : vector<16xi32>
      %get3A_118 = arith.index_cast %while3A_80 : i32 to index
      %get3A_119 = arith.constant 16 : index
      %get3A_120 = tpu.vector_load %arg8[%get3A_118, %get3A_119] {strides = array<i32>} : memref<129x80xi32, #tpu.memory_space<vmem>>, vector<1x16xi32>,
      %get3A_121 = vector.shape_cast %get3A_120 : vector<1x16xi32> to vector<16xi32>
      %mul3A_122 = arith.constant 2 : i32
      %mul3A_123 = vector.broadcast %mul3A_122 : i32 to vector<16xi32>
      %mul3A_124 = arith.muli %get3A_121, %mul3A_123 : vector<16xi32>
      %add3A_125 = arith.addi %add3A_117, %mul3A_124 : vector<16xi32>
      %swap3A_126 = arith.index_cast %while3A_80 : i32 to index
      %swap3A_127 = arith.constant 16 : index
      %swap3A_128 = tpu.vector_load %arg6[%swap3A_126, %swap3A_127] {strides = array<i32>} : memref<129x80xi32, #tpu.memory_space<vmem>>, vector<1x16xi32>,
      %swap3A_129 = vector.shape_cast %swap3A_128 : vector<1x16xi32> to vector<16xi32>
      %swap3A_130 = vector.shape_cast %add3A_125 : vector<16xi32> to vector<1x16xi32>
      tpu.vector_store %arg6[%swap3A_126, %swap3A_127], %swap3A_130 {strides = array<i32>} : memref<129x80xi32, #tpu.memory_space<vmem>>, vector<1x16xi32>,
      %get3A_131 = arith.index_cast %while3A_80 : i32 to index
      %get3A_132 = arith.constant 32 : index
      %get3A_133 = tpu.vector_load %arg9[%get3A_131, %get3A_132] {strides = array<i32>} : memref<129x80xi32, #tpu.memory_space<vmem>>, vector<1x16xi32>,
      %get3A_134 = vector.shape_cast %get3A_133 : vector<1x16xi32> to vector<16xi32>
      %shift_right_arithmetic3A_135 = arith.constant 1 : i32
      %shift_right_arithmetic3A_136 = vector.broadcast %shift_right_arithmetic3A_135 : i32 to vector<16xi32>
      %shift_right_arithmetic3A_137 = arith.shrsi %get3A_134, %shift_right_arithmetic3A_136 : vector<16xi32>
      %mul3A_138 = arith.constant 20000 : i32
      %mul3A_139 = vector.broadcast %mul3A_138 : i32 to vector<16xi32>
      %mul3A_140 = arith.muli %shift_right_arithmetic3A_137, %mul3A_139 : vector<16xi32>
      %and3A_141 = arith.constant 1 : i32
      %and3A_142 = vector.broadcast %and3A_141 : i32 to vector<16xi32>
      %and3A_143 = arith.andi %get3A_134, %and3A_142 : vector<16xi32>
      %add3A_144 = arith.addi %mul3A_140, %and3A_143 : vector<16xi32>
      %get3A_145 = arith.index_cast %while3A_80 : i32 to index
      %get3A_146 = arith.constant 32 : index
      %get3A_147 = tpu.vector_load %arg8[%get3A_145, %get3A_146] {strides = array<i32>} : memref<129x80xi32, #tpu.memory_space<vmem>>, vector<1x16xi32>,
      %get3A_148 = vector.shape_cast %get3A_147 : vector<1x16xi32> to vector<16xi32>
      %mul3A_149 = arith.constant 2 : i32
      %mul3A_150 = vector.broadcast %mul3A_149 : i32 to vector<16xi32>
      %mul3A_151 = arith.muli %get3A_148, %mul3A_150 : vector<16xi32>
      %add3A_152 = arith.addi %add3A_144, %mul3A_151 : vector<16xi32>
      %swap3A_153 = arith.index_cast %while3A_80 : i32 to index
      %swap3A_154 = arith.constant 32 : index
      %swap3A_155 = tpu.vector_load %arg6[%swap3A_153, %swap3A_154] {strides = array<i32>} : memref<129x80xi32, #tpu.memory_space<vmem>>, vector<1x16xi32>,
      %swap3A_156 = vector.shape_cast %swap3A_155 : vector<1x16xi32> to vector<16xi32>
      %swap3A_157 = vector.shape_cast %add3A_152 : vector<16xi32> to vector<1x16xi32>
      tpu.vector_store %arg6[%swap3A_153, %swap3A_154], %swap3A_157 {strides = array<i32>} : memref<129x80xi32, #tpu.memory_space<vmem>>, vector<1x16xi32>,
      %get3A_158 = arith.index_cast %while3A_80 : i32 to index
      %get3A_159 = arith.constant 48 : index
      %get3A_160 = tpu.vector_load %arg9[%get3A_158, %get3A_159] {strides = array<i32>} : memref<129x80xi32, #tpu.memory_space<vmem>>, vector<1x16xi32>,
      %get3A_161 = vector.shape_cast %get3A_160 : vector<1x16xi32> to vector<16xi32>
      %shift_right_arithmetic3A_162 = arith.constant 1 : i32
      %shift_right_arithmetic3A_163 = vector.broadcast %shift_right_arithmetic3A_162 : i32 to vector<16xi32>
      %shift_right_arithmetic3A_164 = arith.shrsi %get3A_161, %shift_right_arithmetic3A_163 : vector<16xi32>
      %mul3A_165 = arith.constant 20000 : i32
      %mul3A_166 = vector.broadcast %mul3A_165 : i32 to vector<16xi32>
      %mul3A_167 = arith.muli %shift_right_arithmetic3A_164, %mul3A_166 : vector<16xi32>
      %and3A_168 = arith.constant 1 : i32
      %and3A_169 = vector.broadcast %and3A_168 : i32 to vector<16xi32>
      %and3A_170 = arith.andi %get3A_161, %and3A_169 : vector<16xi32>
      %add3A_171 = arith.addi %mul3A_167, %and3A_170 : vector<16xi32>
      %get3A_172 = arith.index_cast %while3A_80 : i32 to index
      %get3A_173 = arith.constant 48 : index
      %get3A_174 = tpu.vector_load %arg8[%get3A_172, %get3A_173] {strides = array<i32>} : memref<129x80xi32, #tpu.memory_space<vmem>>, vector<1x16xi32>,
      %get3A_175 = vector.shape_cast %get3A_174 : vector<1x16xi32> to vector<16xi32>
      %mul3A_176 = arith.constant 2 : i32
      %mul3A_177 = vector.broadcast %mul3A_176 : i32 to vector<16xi32>
      %mul3A_178 = arith.muli %get3A_175, %mul3A_177 : vector<16xi32>
      %add3A_179 = arith.addi %add3A_171, %mul3A_178 : vector<16xi32>
      %swap3A_180 = arith.index_cast %while3A_80 : i32 to index
      %swap3A_181 = arith.constant 48 : index
      %swap3A_182 = tpu.vector_load %arg6[%swap3A_180, %swap3A_181] {strides = array<i32>} : memref<129x80xi32, #tpu.memory_space<vmem>>, vector<1x16xi32>,
      %swap3A_183 = vector.shape_cast %swap3A_182 : vector<1x16xi32> to vector<16xi32>
      %swap3A_184 = vector.shape_cast %add3A_179 : vector<16xi32> to vector<1x16xi32>
      tpu.vector_store %arg6[%swap3A_180, %swap3A_181], %swap3A_184 {strides = array<i32>} : memref<129x80xi32, #tpu.memory_space<vmem>>, vector<1x16xi32>,
      %get3A_185 = arith.index_cast %while3A_80 : i32 to index
      %get3A_186 = arith.constant 64 : index
      %get3A_187 = tpu.vector_load %arg9[%get3A_185, %get3A_186] {strides = array<i32>} : memref<129x80xi32, #tpu.memory_space<vmem>>, vector<1x16xi32>,
      %get3A_188 = vector.shape_cast %get3A_187 : vector<1x16xi32> to vector<16xi32>
      %shift_right_arithmetic3A_189 = arith.constant 1 : i32
      %shift_right_arithmetic3A_190 = vector.broadcast %shift_right_arithmetic3A_189 : i32 to vector<16xi32>
      %shift_right_arithmetic3A_191 = arith.shrsi %get3A_188, %shift_right_arithmetic3A_190 : vector<16xi32>
      %mul3A_192 = arith.constant 20000 : i32
      %mul3A_193 = vector.broadcast %mul3A_192 : i32 to vector<16xi32>
      %mul3A_194 = arith.muli %shift_right_arithmetic3A_191, %mul3A_193 : vector<16xi32>
      %and3A_195 = arith.constant 1 : i32
      %and3A_196 = vector.broadcast %and3A_195 : i32 to vector<16xi32>
      %and3A_197 = arith.andi %get3A_188, %and3A_196 : vector<16xi32>
      %add3A_198 = arith.addi %mul3A_194, %and3A_197 : vector<16xi32>
      %get3A_199 = arith.index_cast %while3A_80 : i32 to index
      %get3A_200 = arith.constant 64 : index
      %get3A_201 = tpu.vector_load %arg8[%get3A_199, %get3A_200] {strides = array<i32>} : memref<129x80xi32, #tpu.memory_space<vmem>>, vector<1x16xi32>,
      %get3A_202 = vector.shape_cast %get3A_201 : vector<1x16xi32> to vector<16xi32>
      %mul3A_203 = arith.constant 2 : i32
      %mul3A_204 = vector.broadcast %mul3A_203 : i32 to vector<16xi32>
      %mul3A_205 = arith.muli %get3A_202, %mul3A_204 : vector<16xi32>
      %add3A_206 = arith.addi %add3A_198, %mul3A_205 : vector<16xi32>
      %swap3A_207 = arith.index_cast %while3A_80 : i32 to index
      %swap3A_208 = arith.constant 64 : index
      %swap3A_209 = tpu.vector_load %arg6[%swap3A_207, %swap3A_208] {strides = array<i32>} : memref<129x80xi32, #tpu.memory_space<vmem>>, vector<1x16xi32>,
      %swap3A_210 = vector.shape_cast %swap3A_209 : vector<1x16xi32> to vector<16xi32>
      %swap3A_211 = vector.shape_cast %add3A_206 : vector<16xi32> to vector<1x16xi32>
      tpu.vector_store %arg6[%swap3A_207, %swap3A_208], %swap3A_211 {strides = array<i32>} : memref<129x80xi32, #tpu.memory_space<vmem>>, vector<1x16xi32>,
    }
    %while3A_16 = arith.constant 1 : i32
    scf.for %while3A_80 = %while3A_14 to %while3A_10 step %while3A_16  : i32 {
      %get3A = arith.index_cast %while3A_80 : i32 to index
      %get3A_81 = arith.constant 0 : index
      %get3A_82 = tpu.vector_load %arg9[%get3A, %get3A_81] {strides = array<i32>} : memref<129x80xi32, #tpu.memory_space<vmem>>, vector<1x16xi32>,
      %get3A_83 = vector.shape_cast %get3A_82 : vector<1x16xi32> to vector<16xi32>
      %shift_right_arithmetic3A = arith.constant 1 : i32
      %shift_right_arithmetic3A_84 = vector.broadcast %shift_right_arithmetic3A : i32 to vector<16xi32>
      %shift_right_arithmetic3A_85 = arith.shrsi %get3A_83, %shift_right_arithmetic3A_84 : vector<16xi32>
      %mul3A_86 = arith.constant 20000 : i32
      %mul3A_87 = vector.broadcast %mul3A_86 : i32 to vector<16xi32>
      %mul3A_88 = arith.muli %shift_right_arithmetic3A_85, %mul3A_87 : vector<16xi32>
      %and3A = arith.constant 1 : i32
      %and3A_89 = vector.broadcast %and3A : i32 to vector<16xi32>
      %and3A_90 = arith.andi %get3A_83, %and3A_89 : vector<16xi32>
      %add3A_91 = arith.addi %mul3A_88, %and3A_90 : vector<16xi32>
      %get3A_92 = arith.index_cast %while3A_80 : i32 to index
      %get3A_93 = arith.constant 0 : index
      %get3A_94 = tpu.vector_load %arg8[%get3A_92, %get3A_93] {strides = array<i32>} : memref<129x80xi32, #tpu.memory_space<vmem>>, vector<1x16xi32>,
      %get3A_95 = vector.shape_cast %get3A_94 : vector<1x16xi32> to vector<16xi32>
      %mul3A_96 = arith.constant 2 : i32
      %mul3A_97 = vector.broadcast %mul3A_96 : i32 to vector<16xi32>
      %mul3A_98 = arith.muli %get3A_95, %mul3A_97 : vector<16xi32>
      %add3A_99 = arith.addi %add3A_91, %mul3A_98 : vector<16xi32>
      %swap3A = arith.index_cast %while3A_80 : i32 to index
      %swap3A_100 = arith.constant 0 : index
      %swap3A_101 = tpu.vector_load %arg6[%swap3A, %swap3A_100] {strides = array<i32>} : memref<129x80xi32, #tpu.memory_space<vmem>>, vector<1x16xi32>,
      %swap3A_102 = vector.shape_cast %swap3A_101 : vector<1x16xi32> to vector<16xi32>
      %swap3A_103 = vector.shape_cast %add3A_99 : vector<16xi32> to vector<1x16xi32>
      tpu.vector_store %arg6[%swap3A, %swap3A_100], %swap3A_103 {strides = array<i32>} : memref<129x80xi32, #tpu.memory_space<vmem>>, vector<1x16xi32>,
      %get3A_104 = arith.index_cast %while3A_80 : i32 to index
      %get3A_105 = arith.constant 16 : index
      %get3A_106 = tpu.vector_load %arg9[%get3A_104, %get3A_105] {strides = array<i32>} : memref<129x80xi32, #tpu.memory_space<vmem>>, vector<1x16xi32>,
      %get3A_107 = vector.shape_cast %get3A_106 : vector<1x16xi32> to vector<16xi32>
      %shift_right_arithmetic3A_108 = arith.constant 1 : i32
      %shift_right_arithmetic3A_109 = vector.broadcast %shift_right_arithmetic3A_108 : i32 to vector<16xi32>
      %shift_right_arithmetic3A_110 = arith.shrsi %get3A_107, %shift_right_arithmetic3A_109 : vector<16xi32>
      %mul3A_111 = arith.constant 20000 : i32
      %mul3A_112 = vector.broadcast %mul3A_111 : i32 to vector<16xi32>
      %mul3A_113 = arith.muli %shift_right_arithmetic3A_110, %mul3A_112 : vector<16xi32>
      %and3A_114 = arith.constant 1 : i32
      %and3A_115 = vector.broadcast %and3A_114 : i32 to vector<16xi32>
      %and3A_116 = arith.andi %get3A_107, %and3A_115 : vector<16xi32>
      %add3A_117 = arith.addi %mul3A_113, %and3A_116 : vector<16xi32>
      %get3A_118 = arith.index_cast %while3A_80 : i32 to index
      %get3A_119 = arith.constant 16 : index
      %get3A_120 = tpu.vector_load %arg8[%get3A_118, %get3A_119] {strides = array<i32>} : memref<129x80xi32, #tpu.memory_space<vmem>>, vector<1x16xi32>,
      %get3A_121 = vector.shape_cast %get3A_120 : vector<1x16xi32> to vector<16xi32>
      %mul3A_122 = arith.constant 2 : i32
      %mul3A_123 = vector.broadcast %mul3A_122 : i32 to vector<16xi32>
      %mul3A_124 = arith.muli %get3A_121, %mul3A_123 : vector<16xi32>
      %add3A_125 = arith.addi %add3A_117, %mul3A_124 : vector<16xi32>
      %swap3A_126 = arith.index_cast %while3A_80 : i32 to index
      %swap3A_127 = arith.constant 16 : index
      %swap3A_128 = tpu.vector_load %arg6[%swap3A_126, %swap3A_127] {strides = array<i32>} : memref<129x80xi32, #tpu.memory_space<vmem>>, vector<1x16xi32>,
      %swap3A_129 = vector.shape_cast %swap3A_128 : vector<1x16xi32> to vector<16xi32>
      %swap3A_130 = vector.shape_cast %add3A_125 : vector<16xi32> to vector<1x16xi32>
      tpu.vector_store %arg6[%swap3A_126, %swap3A_127], %swap3A_130 {strides = array<i32>} : memref<129x80xi32, #tpu.memory_space<vmem>>, vector<1x16xi32>,
      %get3A_131 = arith.index_cast %while3A_80 : i32 to index
      %get3A_132 = arith.constant 32 : index
      %get3A_133 = tpu.vector_load %arg9[%get3A_131, %get3A_132] {strides = array<i32>} : memref<129x80xi32, #tpu.memory_space<vmem>>, vector<1x16xi32>,
      %get3A_134 = vector.shape_cast %get3A_133 : vector<1x16xi32> to vector<16xi32>
      %shift_right_arithmetic3A_135 = arith.constant 1 : i32
      %shift_right_arithmetic3A_136 = vector.broadcast %shift_right_arithmetic3A_135 : i32 to vector<16xi32>
      %shift_right_arithmetic3A_137 = arith.shrsi %get3A_134, %shift_right_arithmetic3A_136 : vector<16xi32>
      %mul3A_138 = arith.constant 20000 : i32
      %mul3A_139 = vector.broadcast %mul3A_138 : i32 to vector<16xi32>
      %mul3A_140 = arith.muli %shift_right_arithmetic3A_137, %mul3A_139 : vector<16xi32>
      %and3A_141 = arith.constant 1 : i32
      %and3A_142 = vector.broadcast %and3A_141 : i32 to vector<16xi32>
      %and3A_143 = arith.andi %get3A_134, %and3A_142 : vector<16xi32>
      %add3A_144 = arith.addi %mul3A_140, %and3A_143 : vector<16xi32>
      %get3A_145 = arith.index_cast %while3A_80 : i32 to index
      %get3A_146 = arith.constant 32 : index
      %get3A_147 = tpu.vector_load %arg8[%get3A_145, %get3A_146] {strides = array<i32>} : memref<129x80xi32, #tpu.memory_space<vmem>>, vector<1x16xi32>,
      %get3A_148 = vector.shape_cast %get3A_147 : vector<1x16xi32> to vector<16xi32>
      %mul3A_149 = arith.constant 2 : i32
      %mul3A_150 = vector.broadcast %mul3A_149 : i32 to vector<16xi32>
      %mul3A_151 = arith.muli %get3A_148, %mul3A_150 : vector<16xi32>
      %add3A_152 = arith.addi %add3A_144, %mul3A_151 : vector<16xi32>
      %swap3A_153 = arith.index_cast %while3A_80 : i32 to index
      %swap3A_154 = arith.constant 32 : index
      %swap3A_155 = tpu.vector_load %arg6[%swap3A_153, %swap3A_154] {strides = array<i32>} : memref<129x80xi32, #tpu.memory_space<vmem>>, vector<1x16xi32>,
      %swap3A_156 = vector.shape_cast %swap3A_155 : vector<1x16xi32> to vector<16xi32>
      %swap3A_157 = vector.shape_cast %add3A_152 : vector<16xi32> to vector<1x16xi32>
      tpu.vector_store %arg6[%swap3A_153, %swap3A_154], %swap3A_157 {strides = array<i32>} : memref<129x80xi32, #tpu.memory_space<vmem>>, vector<1x16xi32>,
      %get3A_158 = arith.index_cast %while3A_80 : i32 to index
      %get3A_159 = arith.constant 48 : index
      %get3A_160 = tpu.vector_load %arg9[%get3A_158, %get3A_159] {strides = array<i32>} : memref<129x80xi32, #tpu.memory_space<vmem>>, vector<1x16xi32>,
      %get3A_161 = vector.shape_cast %get3A_160 : vector<1x16xi32> to vector<16xi32>
      %shift_right_arithmetic3A_162 = arith.constant 1 : i32
      %shift_right_arithmetic3A_163 = vector.broadcast %shift_right_arithmetic3A_162 : i32 to vector<16xi32>
      %shift_right_arithmetic3A_164 = arith.shrsi %get3A_161, %shift_right_arithmetic3A_163 : vector<16xi32>
      %mul3A_165 = arith.constant 20000 : i32
      %mul3A_166 = vector.broadcast %mul3A_165 : i32 to vector<16xi32>
      %mul3A_167 = arith.muli %shift_right_arithmetic3A_164, %mul3A_166 : vector<16xi32>
      %and3A_168 = arith.constant 1 : i32
      %and3A_169 = vector.broadcast %and3A_168 : i32 to vector<16xi32>
      %and3A_170 = arith.andi %get3A_161, %and3A_169 : vector<16xi32>
      %add3A_171 = arith.addi %mul3A_167, %and3A_170 : vector<16xi32>
      %get3A_172 = arith.index_cast %while3A_80 : i32 to index
      %get3A_173 = arith.constant 48 : index
      %get3A_174 = tpu.vector_load %arg8[%get3A_172, %get3A_173] {strides = array<i32>} : memref<129x80xi32, #tpu.memory_space<vmem>>, vector<1x16xi32>,
      %get3A_175 = vector.shape_cast %get3A_174 : vector<1x16xi32> to vector<16xi32>
      %mul3A_176 = arith.constant 2 : i32
      %mul3A_177 = vector.broadcast %mul3A_176 : i32 to vector<16xi32>
      %mul3A_178 = arith.muli %get3A_175, %mul3A_177 : vector<16xi32>
      %add3A_179 = arith.addi %add3A_171, %mul3A_178 : vector<16xi32>
      %swap3A_180 = arith.index_cast %while3A_80 : i32 to index
      %swap3A_181 = arith.constant 48 : index
      %swap3A_182 = tpu.vector_load %arg6[%swap3A_180, %swap3A_181] {strides = array<i32>} : memref<129x80xi32, #tpu.memory_space<vmem>>, vector<1x16xi32>,
      %swap3A_183 = vector.shape_cast %swap3A_182 : vector<1x16xi32> to vector<16xi32>
      %swap3A_184 = vector.shape_cast %add3A_179 : vector<16xi32> to vector<1x16xi32>
      tpu.vector_store %arg6[%swap3A_180, %swap3A_181], %swap3A_184 {strides = array<i32>} : memref<129x80xi32, #tpu.memory_space<vmem>>, vector<1x16xi32>,
      %get3A_185 = arith.index_cast %while3A_80 : i32 to index
      %get3A_186 = arith.constant 64 : index
      %get3A_187 = tpu.vector_load %arg9[%get3A_185, %get3A_186] {strides = array<i32>} : memref<129x80xi32, #tpu.memory_space<vmem>>, vector<1x16xi32>,
      %get3A_188 = vector.shape_cast %get3A_187 : vector<1x16xi32> to vector<16xi32>
      %shift_right_arithmetic3A_189 = arith.constant 1 : i32
      %shift_right_arithmetic3A_190 = vector.broadcast %shift_right_arithmetic3A_189 : i32 to vector<16xi32>
      %shift_right_arithmetic3A_191 = arith.shrsi %get3A_188, %shift_right_arithmetic3A_190 : vector<16xi32>
      %mul3A_192 = arith.constant 20000 : i32
      %mul3A_193 = vector.broadcast %mul3A_192 : i32 to vector<16xi32>
      %mul3A_194 = arith.muli %shift_right_arithmetic3A_191, %mul3A_193 : vector<16xi32>
      %and3A_195 = arith.constant 1 : i32
      %and3A_196 = vector.broadcast %and3A_195 : i32 to vector<16xi32>
      %and3A_197 = arith.andi %get3A_188, %and3A_196 : vector<16xi32>
      %add3A_198 = arith.addi %mul3A_194, %and3A_197 : vector<16xi32>
      %get3A_199 = arith.index_cast %while3A_80 : i32 to index
      %get3A_200 = arith.constant 64 : index
      %get3A_201 = tpu.vector_load %arg8[%get3A_199, %get3A_200] {strides = array<i32>} : memref<129x80xi32, #tpu.memory_space<vmem>>, vector<1x16xi32>,
      %get3A_202 = vector.shape_cast %get3A_201 : vector<1x16xi32> to vector<16xi32>
      %mul3A_203 = arith.constant 2 : i32
      %mul3A_204 = vector.broadcast %mul3A_203 : i32 to vector<16xi32>
      %mul3A_205 = arith.muli %get3A_202, %mul3A_204 : vector<16xi32>
      %add3A_206 = arith.addi %add3A_198, %mul3A_205 : vector<16xi32>
      %swap3A_207 = arith.index_cast %while3A_80 : i32 to index
      %swap3A_208 = arith.constant 64 : index
      %swap3A_209 = tpu.vector_load %arg6[%swap3A_207, %swap3A_208] {strides = array<i32>} : memref<129x80xi32, #tpu.memory_space<vmem>>, vector<1x16xi32>,
      %swap3A_210 = vector.shape_cast %swap3A_209 : vector<1x16xi32> to vector<16xi32>
      %swap3A_211 = vector.shape_cast %add3A_206 : vector<16xi32> to vector<1x16xi32>
      tpu.vector_store %arg6[%swap3A_207, %swap3A_208], %swap3A_211 {strides = array<i32>} : memref<129x80xi32, #tpu.memory_space<vmem>>, vector<1x16xi32>,
    }
    %barrier3A = arith.constant 0 : index
    tpu.barrier barrier_id(%barrier3A)
    %dma_start3A = arith.constant 0 : i32
    %dma_start3A_17 = arith.constant 0 : i32
    %dma_start3A_18 = arith.constant 0 : i32
    %dma_start3A_19 = arith.constant 0 : i32
    %dma_start3A_20 = tpu.memref_slice %arg10[%dma_start3A_17, %dma_start3A_18, %dma_start3A_19] : memref<4x80x64xf32, #tpu.memory_space<vmem>> -> memref<1x80x64xf32, #tpu.memory_space<vmem>>
    %dma_start3A_21 = tpu.memref_squeeze %dma_start3A_20 : memref<1x80x64xf32, #tpu.memory_space<vmem>> -> memref<80x64xf32, #tpu.memory_space<vmem>>
    %dma_start3A_22 = arith.constant 0 : i32
    %dma_start3A_23 = tpu.memref_slice %arg6[%dma_start3A, %dma_start3A_22] : memref<129x80xi32, #tpu.memory_space<vmem>> -> memref<1x80xi32, #tpu.memory_space<vmem>>
    %dma_start3A_24 = tpu.memref_squeeze %dma_start3A_23 : memref<1x80xi32, #tpu.memory_space<vmem>> -> memref<80xi32, #tpu.memory_space<vmem>>
    %dma_start3A_25 = arith.constant 0 : i32
    %dma_start3A_26 = arith.constant 0 : i32
    %dma_start3A_27 = tpu.memref_slice %arg2[%dma_start3A_25, %dma_start3A_26] : memref<100000x64xf32, #tpu.memory_space<hbm>> -> memref<100000x64xf32, #tpu.memory_space<hbm>>
    tpu.enqueue_indirect_dma source(%dma_start3A_27 : memref<100000x64xf32, #tpu.memory_space<hbm>>) target(%dma_start3A_21 : memref<80x64xf32, #tpu.memory_space<vmem>>) offsets(%dma_start3A_24 : memref<80xi32, #tpu.memory_space<vmem>>) semaphore(%arg12 : memref<!tpu.dma_semaphore, #tpu.memory_space<semaphore_mem>>)
    %dma_start3A_28 = arith.constant 1 : i32
    %dma_start3A_29 = arith.constant 1 : i32
    %dma_start3A_30 = arith.constant 0 : i32
    %dma_start3A_31 = arith.constant 0 : i32
    %dma_start3A_32 = tpu.memref_slice %arg10[%dma_start3A_29, %dma_start3A_30, %dma_start3A_31] : memref<4x80x64xf32, #tpu.memory_space<vmem>> -> memref<1x80x64xf32, #tpu.memory_space<vmem>>
    %dma_start3A_33 = tpu.memref_squeeze %dma_start3A_32 : memref<1x80x64xf32, #tpu.memory_space<vmem>> -> memref<80x64xf32, #tpu.memory_space<vmem>>
    %dma_start3A_34 = arith.constant 0 : i32
    %dma_start3A_35 = tpu.memref_slice %arg6[%dma_start3A_28, %dma_start3A_34] : memref<129x80xi32, #tpu.memory_space<vmem>> -> memref<1x80xi32, #tpu.memory_space<vmem>>
    %dma_start3A_36 = tpu.memref_squeeze %dma_start3A_35 : memref<1x80xi32, #tpu.memory_space<vmem>> -> memref<80xi32, #tpu.memory_space<vmem>>
    %dma_start3A_37 = arith.constant 0 : i32
    %dma_start3A_38 = arith.constant 0 : i32
    %dma_start3A_39 = tpu.memref_slice %arg2[%dma_start3A_37, %dma_start3A_38] : memref<100000x64xf32, #tpu.memory_space<hbm>> -> memref<100000x64xf32, #tpu.memory_space<hbm>>
    tpu.enqueue_indirect_dma source(%dma_start3A_39 : memref<100000x64xf32, #tpu.memory_space<hbm>>) target(%dma_start3A_33 : memref<80x64xf32, #tpu.memory_space<vmem>>) offsets(%dma_start3A_36 : memref<80xi32, #tpu.memory_space<vmem>>) semaphore(%arg13 : memref<!tpu.dma_semaphore, #tpu.memory_space<semaphore_mem>>)
    %dma_start3A_40 = arith.constant 2 : i32
    %dma_start3A_41 = arith.constant 2 : i32
    %dma_start3A_42 = arith.constant 0 : i32
    %dma_start3A_43 = arith.constant 0 : i32
    %dma_start3A_44 = tpu.memref_slice %arg10[%dma_start3A_41, %dma_start3A_42, %dma_start3A_43] : memref<4x80x64xf32, #tpu.memory_space<vmem>> -> memref<1x80x64xf32, #tpu.memory_space<vmem>>
    %dma_start3A_45 = tpu.memref_squeeze %dma_start3A_44 : memref<1x80x64xf32, #tpu.memory_space<vmem>> -> memref<80x64xf32, #tpu.memory_space<vmem>>
    %dma_start3A_46 = arith.constant 0 : i32
    %dma_start3A_47 = tpu.memref_slice %arg6[%dma_start3A_40, %dma_start3A_46] : memref<129x80xi32, #tpu.memory_space<vmem>> -> memref<1x80xi32, #tpu.memory_space<vmem>>
    %dma_start3A_48 = tpu.memref_squeeze %dma_start3A_47 : memref<1x80xi32, #tpu.memory_space<vmem>> -> memref<80xi32, #tpu.memory_space<vmem>>
    %dma_start3A_49 = arith.constant 0 : i32
    %dma_start3A_50 = arith.constant 0 : i32
    %dma_start3A_51 = tpu.memref_slice %arg2[%dma_start3A_49, %dma_start3A_50] : memref<100000x64xf32, #tpu.memory_space<hbm>> -> memref<100000x64xf32, #tpu.memory_space<hbm>>
    tpu.enqueue_indirect_dma source(%dma_start3A_51 : memref<100000x64xf32, #tpu.memory_space<hbm>>) target(%dma_start3A_45 : memref<80x64xf32, #tpu.memory_space<vmem>>) offsets(%dma_start3A_48 : memref<80xi32, #tpu.memory_space<vmem>>) semaphore(%arg14 : memref<!tpu.dma_semaphore, #tpu.memory_space<semaphore_mem>>)
    %dma_start3A_52 = arith.constant 3 : i32
    %dma_start3A_53 = arith.constant 3 : i32
    %dma_start3A_54 = arith.constant 0 : i32
    %dma_start3A_55 = arith.constant 0 : i32
    %dma_start3A_56 = tpu.memref_slice %arg10[%dma_start3A_53, %dma_start3A_54, %dma_start3A_55] : memref<4x80x64xf32, #tpu.memory_space<vmem>> -> memref<1x80x64xf32, #tpu.memory_space<vmem>>
    %dma_start3A_57 = tpu.memref_squeeze %dma_start3A_56 : memref<1x80x64xf32, #tpu.memory_space<vmem>> -> memref<80x64xf32, #tpu.memory_space<vmem>>
    %dma_start3A_58 = arith.constant 0 : i32
    %dma_start3A_59 = tpu.memref_slice %arg6[%dma_start3A_52, %dma_start3A_58] : memref<129x80xi32, #tpu.memory_space<vmem>> -> memref<1x80xi32, #tpu.memory_space<vmem>>
    %dma_start3A_60 = tpu.memref_squeeze %dma_start3A_59 : memref<1x80xi32, #tpu.memory_space<vmem>> -> memref<80xi32, #tpu.memory_space<vmem>>
    %dma_start3A_61 = arith.constant 0 : i32
    %dma_start3A_62 = arith.constant 0 : i32
    %dma_start3A_63 = tpu.memref_slice %arg2[%dma_start3A_61, %dma_start3A_62] : memref<100000x64xf32, #tpu.memory_space<hbm>> -> memref<100000x64xf32, #tpu.memory_space<hbm>>
    tpu.enqueue_indirect_dma source(%dma_start3A_63 : memref<100000x64xf32, #tpu.memory_space<hbm>>) target(%dma_start3A_57 : memref<80x64xf32, #tpu.memory_space<vmem>>) offsets(%dma_start3A_60 : memref<80xi32, #tpu.memory_space<vmem>>) semaphore(%arg15 : memref<!tpu.dma_semaphore, #tpu.memory_space<semaphore_mem>>)
    %while3A_64 = arith.constant 0 : i32
    %while3A_65 = arith.constant 0 : i32
    %while3A_66 = arith.constant 33 : i32
    %while3A_67 = arith.subi %while3A_66, %while3A_65 : i32
    %while3A_68 = arith.addi %while3A_65, %while3A_67 : i32
    %while3A_69 = arith.constant 1 : i32
    %while3A_70 = arith.divsi %while3A_67, %while3A_69 : i32
    %while3A_71 = arith.muli %while3A_70, %while3A_69 : i32
    %while3A_72 = arith.addi %while3A_65, %while3A_71 : i32
    %while3A_73 = arith.constant 1 : i32
    scf.for %while3A_80 = %while3A_65 to %while3A_72 step %while3A_73  : i32 {
      %mul3A_81 = arith.constant 4 : i32
      %mul3A_82 = arith.muli %while3A_80, %mul3A_81 : i32
      %add3A_83 = arith.constant 0 : i32
      %add3A_84 = arith.addi %mul3A_82, %add3A_83 : i32
      %lt3A = arith.constant 129 : i32
      %lt3A_85 = arith.cmpi slt, %add3A_84, %lt3A : i32
      %convert_element_type3A = arith.extui %lt3A_85 : i1 to i32
      %cond3A = arith.constant 0 : i32
      %cond3A_86 = arith.constant 0 : i32
      %cond3A_87 = arith.cmpi ne, %convert_element_type3A, %cond3A_86 : i32
      scf.if %cond3A_87 {
        %dma_wait3A = arith.constant 0 : i32
        %dma_wait3A_112 = arith.constant 0 : i32
        %dma_wait3A_113 = tpu.memref_slice %arg10[%cond3A, %dma_wait3A, %dma_wait3A_112] : memref<4x80x64xf32, #tpu.memory_space<vmem>> -> memref<1x80x64xf32, #tpu.memory_space<vmem>>
        %dma_wait3A_114 = tpu.memref_squeeze %dma_wait3A_113 : memref<1x80x64xf32, #tpu.memory_space<vmem>> -> memref<80x64xf32, #tpu.memory_space<vmem>>
        %dma_wait3A_115 = arith.constant 0 : i32
        %dma_wait3A_116 = tpu.memref_slice %arg6[%cond3A, %dma_wait3A_115] : memref<129x80xi32, #tpu.memory_space<vmem>> -> memref<1x80xi32, #tpu.memory_space<vmem>>
        %dma_wait3A_117 = tpu.memref_squeeze %dma_wait3A_116 : memref<1x80xi32, #tpu.memory_space<vmem>> -> memref<80xi32, #tpu.memory_space<vmem>>
        %dma_wait3A_118 = arith.constant 0 : i32
        %dma_wait3A_119 = arith.constant 0 : i32
        %dma_wait3A_120 = tpu.memref_slice %arg2[%dma_wait3A_118, %dma_wait3A_119] : memref<100000x64xf32, #tpu.memory_space<hbm>> -> memref<100000x64xf32, #tpu.memory_space<hbm>>
        tpu.wait_indirect_dma semaphore(%arg12 : memref<!tpu.dma_semaphore, #tpu.memory_space<semaphore_mem>>) src(%dma_wait3A_120 : memref<100000x64xf32, #tpu.memory_space<hbm>>) dst(%dma_wait3A_114 : memref<80x64xf32, #tpu.memory_space<vmem>>)
        "tpu.region"() ({
          %run_scoped3A_128 = tpu.sem_alloc : memref<!tpu.dma_semaphore, #tpu.memory_space<semaphore_mem>>
          %dma_start3A_129 = arith.constant 0 : i32
          %dma_start3A_130 = arith.constant 0 : i32
          %dma_start3A_131 = tpu.memref_slice %arg10[%cond3A, %dma_start3A_129, %dma_start3A_130] : memref<4x80x64xf32, #tpu.memory_space<vmem>> -> memref<1x80x64xf32, #tpu.memory_space<vmem>>
          %dma_start3A_132 = tpu.memref_squeeze %dma_start3A_131 : memref<1x80x64xf32, #tpu.memory_space<vmem>> -> memref<80x64xf32, #tpu.memory_space<vmem>>
          %dma_start3A_133 = arith.constant 0 : i32
          %dma_start3A_134 = tpu.memref_slice %arg7[%add3A_84, %dma_start3A_133] : memref<129x80xi32, #tpu.memory_space<vmem>> -> memref<1x80xi32, #tpu.memory_space<vmem>>
          %dma_start3A_135 = tpu.memref_squeeze %dma_start3A_134 : memref<1x80xi32, #tpu.memory_space<vmem>> -> memref<80xi32, #tpu.memory_space<vmem>>
          %dma_start3A_136 = arith.constant 0 : i32
          %dma_start3A_137 = arith.constant 0 : i32
          %dma_start3A_138 = tpu.memref_slice %arg11[%dma_start3A_136, %dma_start3A_137] : memref<10240x64xf32, #tpu.memory_space<vmem_shared>> -> memref<10240x64xf32, #tpu.memory_space<vmem_shared>>
          tpu.enqueue_indirect_dma source(%dma_start3A_132 : memref<80x64xf32, #tpu.memory_space<vmem>>) target(%dma_start3A_138 : memref<10240x64xf32, #tpu.memory_space<vmem_shared>>) offsets(%dma_start3A_135 : memref<80xi32, #tpu.memory_space<vmem>>) semaphore(%run_scoped3A_128 : memref<!tpu.dma_semaphore, #tpu.memory_space<semaphore_mem>>) {add = true}
          %dma_wait3A_139 = arith.constant 0 : i32
          %dma_wait3A_140 = arith.constant 0 : i32
          %dma_wait3A_141 = tpu.memref_slice %arg10[%cond3A, %dma_wait3A_139, %dma_wait3A_140] : memref<4x80x64xf32, #tpu.memory_space<vmem>> -> memref<1x80x64xf32, #tpu.memory_space<vmem>>
          %dma_wait3A_142 = tpu.memref_squeeze %dma_wait3A_141 : memref<1x80x64xf32, #tpu.memory_space<vmem>> -> memref<80x64xf32, #tpu.memory_space<vmem>>
          %dma_wait3A_143 = arith.constant 0 : i32
          %dma_wait3A_144 = tpu.memref_slice %arg7[%add3A_84, %dma_wait3A_143] : memref<129x80xi32, #tpu.memory_space<vmem>> -> memref<1x80xi32, #tpu.memory_space<vmem>>
          %dma_wait3A_145 = tpu.memref_squeeze %dma_wait3A_144 : memref<1x80xi32, #tpu.memory_space<vmem>> -> memref<80xi32, #tpu.memory_space<vmem>>
          %dma_wait3A_146 = arith.constant 0 : i32
          %dma_wait3A_147 = arith.constant 0 : i32
          %dma_wait3A_148 = tpu.memref_slice %arg11[%dma_wait3A_146, %dma_wait3A_147] : memref<10240x64xf32, #tpu.memory_space<vmem_shared>> -> memref<10240x64xf32, #tpu.memory_space<vmem_shared>>
          tpu.wait_indirect_dma semaphore(%run_scoped3A_128 : memref<!tpu.dma_semaphore, #tpu.memory_space<semaphore_mem>>) src(%dma_wait3A_142 : memref<80x64xf32, #tpu.memory_space<vmem>>) dst(%dma_wait3A_148 : memref<10240x64xf32, #tpu.memory_space<vmem_shared>>)
          tpu.yield
        }) : () -> ()
        %add3A_121 = arith.constant 4 : i32
        %add3A_122 = arith.addi %add3A_84, %add3A_121 : i32
        %lt3A_123 = arith.constant 129 : i32
        %lt3A_124 = arith.cmpi slt, %add3A_122, %lt3A_123 : i32
        %convert_element_type3A_125 = arith.extui %lt3A_124 : i1 to i32
        %cond3A_126 = arith.constant 0 : i32
        %cond3A_127 = arith.cmpi ne, %convert_element_type3A_125, %cond3A_126 : i32
        scf.if %cond3A_127 {
          %add3A_128 = arith.constant 4 : i32
          %add3A_129 = arith.addi %add3A_84, %add3A_128 : i32
          %dma_start3A_130 = arith.constant 0 : i32
          %dma_start3A_131 = arith.constant 0 : i32
          %dma_start3A_132 = tpu.memref_slice %arg10[%cond3A, %dma_start3A_130, %dma_start3A_131] : memref<4x80x64xf32, #tpu.memory_space<vmem>> -> memref<1x80x64xf32, #tpu.memory_space<vmem>>
          %dma_start3A_133 = tpu.memref_squeeze %dma_start3A_132 : memref<1x80x64xf32, #tpu.memory_space<vmem>> -> memref<80x64xf32, #tpu.memory_space<vmem>>
          %dma_start3A_134 = arith.constant 0 : i32
          %dma_start3A_135 = tpu.memref_slice %arg6[%add3A_129, %dma_start3A_134] : memref<129x80xi32, #tpu.memory_space<vmem>> -> memref<1x80xi32, #tpu.memory_space<vmem>>
          %dma_start3A_136 = tpu.memref_squeeze %dma_start3A_135 : memref<1x80xi32, #tpu.memory_space<vmem>> -> memref<80xi32, #tpu.memory_space<vmem>>
          %dma_start3A_137 = arith.constant 0 : i32
          %dma_start3A_138 = arith.constant 0 : i32
          %dma_start3A_139 = tpu.memref_slice %arg2[%dma_start3A_137, %dma_start3A_138] : memref<100000x64xf32, #tpu.memory_space<hbm>> -> memref<100000x64xf32, #tpu.memory_space<hbm>>
          tpu.enqueue_indirect_dma source(%dma_start3A_139 : memref<100000x64xf32, #tpu.memory_space<hbm>>) target(%dma_start3A_133 : memref<80x64xf32, #tpu.memory_space<vmem>>) offsets(%dma_start3A_136 : memref<80xi32, #tpu.memory_space<vmem>>) semaphore(%arg12 : memref<!tpu.dma_semaphore, #tpu.memory_space<semaphore_mem>>)
        } else {
        }
      } else {
      }
      %add3A_88 = arith.constant 1 : i32
      %add3A_89 = arith.addi %mul3A_82, %add3A_88 : i32
      %lt3A_90 = arith.constant 129 : i32
      %lt3A_91 = arith.cmpi slt, %add3A_89, %lt3A_90 : i32
      %convert_element_type3A_92 = arith.extui %lt3A_91 : i1 to i32
      %cond3A_93 = arith.constant 1 : i32
      %cond3A_94 = arith.constant 0 : i32
      %cond3A_95 = arith.cmpi ne, %convert_element_type3A_92, %cond3A_94 : i32
      scf.if %cond3A_95 {
        %dma_wait3A = arith.constant 0 : i32
        %dma_wait3A_112 = arith.constant 0 : i32
        %dma_wait3A_113 = tpu.memref_slice %arg10[%cond3A_93, %dma_wait3A, %dma_wait3A_112] : memref<4x80x64xf32, #tpu.memory_space<vmem>> -> memref<1x80x64xf32, #tpu.memory_space<vmem>>
        %dma_wait3A_114 = tpu.memref_squeeze %dma_wait3A_113 : memref<1x80x64xf32, #tpu.memory_space<vmem>> -> memref<80x64xf32, #tpu.memory_space<vmem>>
        %dma_wait3A_115 = arith.constant 0 : i32
        %dma_wait3A_116 = tpu.memref_slice %arg6[%cond3A_93, %dma_wait3A_115] : memref<129x80xi32, #tpu.memory_space<vmem>> -> memref<1x80xi32, #tpu.memory_space<vmem>>
        %dma_wait3A_117 = tpu.memref_squeeze %dma_wait3A_116 : memref<1x80xi32, #tpu.memory_space<vmem>> -> memref<80xi32, #tpu.memory_space<vmem>>
        %dma_wait3A_118 = arith.constant 0 : i32
        %dma_wait3A_119 = arith.constant 0 : i32
        %dma_wait3A_120 = tpu.memref_slice %arg2[%dma_wait3A_118, %dma_wait3A_119] : memref<100000x64xf32, #tpu.memory_space<hbm>> -> memref<100000x64xf32, #tpu.memory_space<hbm>>
        tpu.wait_indirect_dma semaphore(%arg13 : memref<!tpu.dma_semaphore, #tpu.memory_space<semaphore_mem>>) src(%dma_wait3A_120 : memref<100000x64xf32, #tpu.memory_space<hbm>>) dst(%dma_wait3A_114 : memref<80x64xf32, #tpu.memory_space<vmem>>)
        "tpu.region"() ({
          %run_scoped3A_128 = tpu.sem_alloc : memref<!tpu.dma_semaphore, #tpu.memory_space<semaphore_mem>>
          %dma_start3A_129 = arith.constant 0 : i32
          %dma_start3A_130 = arith.constant 0 : i32
          %dma_start3A_131 = tpu.memref_slice %arg10[%cond3A_93, %dma_start3A_129, %dma_start3A_130] : memref<4x80x64xf32, #tpu.memory_space<vmem>> -> memref<1x80x64xf32, #tpu.memory_space<vmem>>
          %dma_start3A_132 = tpu.memref_squeeze %dma_start3A_131 : memref<1x80x64xf32, #tpu.memory_space<vmem>> -> memref<80x64xf32, #tpu.memory_space<vmem>>
          %dma_start3A_133 = arith.constant 0 : i32
          %dma_start3A_134 = tpu.memref_slice %arg7[%add3A_89, %dma_start3A_133] : memref<129x80xi32, #tpu.memory_space<vmem>> -> memref<1x80xi32, #tpu.memory_space<vmem>>
          %dma_start3A_135 = tpu.memref_squeeze %dma_start3A_134 : memref<1x80xi32, #tpu.memory_space<vmem>> -> memref<80xi32, #tpu.memory_space<vmem>>
          %dma_start3A_136 = arith.constant 0 : i32
          %dma_start3A_137 = arith.constant 0 : i32
          %dma_start3A_138 = tpu.memref_slice %arg11[%dma_start3A_136, %dma_start3A_137] : memref<10240x64xf32, #tpu.memory_space<vmem_shared>> -> memref<10240x64xf32, #tpu.memory_space<vmem_shared>>
          tpu.enqueue_indirect_dma source(%dma_start3A_132 : memref<80x64xf32, #tpu.memory_space<vmem>>) target(%dma_start3A_138 : memref<10240x64xf32, #tpu.memory_space<vmem_shared>>) offsets(%dma_start3A_135 : memref<80xi32, #tpu.memory_space<vmem>>) semaphore(%run_scoped3A_128 : memref<!tpu.dma_semaphore, #tpu.memory_space<semaphore_mem>>) {add = true}
          %dma_wait3A_139 = arith.constant 0 : i32
          %dma_wait3A_140 = arith.constant 0 : i32
          %dma_wait3A_141 = tpu.memref_slice %arg10[%cond3A_93, %dma_wait3A_139, %dma_wait3A_140] : memref<4x80x64xf32, #tpu.memory_space<vmem>> -> memref<1x80x64xf32, #tpu.memory_space<vmem>>
          %dma_wait3A_142 = tpu.memref_squeeze %dma_wait3A_141 : memref<1x80x64xf32, #tpu.memory_space<vmem>> -> memref<80x64xf32, #tpu.memory_space<vmem>>
          %dma_wait3A_143 = arith.constant 0 : i32
          %dma_wait3A_144 = tpu.memref_slice %arg7[%add3A_89, %dma_wait3A_143] : memref<129x80xi32, #tpu.memory_space<vmem>> -> memref<1x80xi32, #tpu.memory_space<vmem>>
          %dma_wait3A_145 = tpu.memref_squeeze %dma_wait3A_144 : memref<1x80xi32, #tpu.memory_space<vmem>> -> memref<80xi32, #tpu.memory_space<vmem>>
          %dma_wait3A_146 = arith.constant 0 : i32
          %dma_wait3A_147 = arith.constant 0 : i32
          %dma_wait3A_148 = tpu.memref_slice %arg11[%dma_wait3A_146, %dma_wait3A_147] : memref<10240x64xf32, #tpu.memory_space<vmem_shared>> -> memref<10240x64xf32, #tpu.memory_space<vmem_shared>>
          tpu.wait_indirect_dma semaphore(%run_scoped3A_128 : memref<!tpu.dma_semaphore, #tpu.memory_space<semaphore_mem>>) src(%dma_wait3A_142 : memref<80x64xf32, #tpu.memory_space<vmem>>) dst(%dma_wait3A_148 : memref<10240x64xf32, #tpu.memory_space<vmem_shared>>)
          tpu.yield
        }) : () -> ()
        %add3A_121 = arith.constant 4 : i32
        %add3A_122 = arith.addi %add3A_89, %add3A_121 : i32
        %lt3A_123 = arith.constant 129 : i32
        %lt3A_124 = arith.cmpi slt, %add3A_122, %lt3A_123 : i32
        %convert_element_type3A_125 = arith.extui %lt3A_124 : i1 to i32
        %cond3A_126 = arith.constant 0 : i32
        %cond3A_127 = arith.cmpi ne, %convert_element_type3A_125, %cond3A_126 : i32
        scf.if %cond3A_127 {
          %add3A_128 = arith.constant 4 : i32
          %add3A_129 = arith.addi %add3A_89, %add3A_128 : i32
          %dma_start3A_130 = arith.constant 0 : i32
          %dma_start3A_131 = arith.constant 0 : i32
          %dma_start3A_132 = tpu.memref_slice %arg10[%cond3A_93, %dma_start3A_130, %dma_start3A_131] : memref<4x80x64xf32, #tpu.memory_space<vmem>> -> memref<1x80x64xf32, #tpu.memory_space<vmem>>
          %dma_start3A_133 = tpu.memref_squeeze %dma_start3A_132 : memref<1x80x64xf32, #tpu.memory_space<vmem>> -> memref<80x64xf32, #tpu.memory_space<vmem>>
          %dma_start3A_134 = arith.constant 0 : i32
          %dma_start3A_135 = tpu.memref_slice %arg6[%add3A_129, %dma_start3A_134] : memref<129x80xi32, #tpu.memory_space<vmem>> -> memref<1x80xi32, #tpu.memory_space<vmem>>
          %dma_start3A_136 = tpu.memref_squeeze %dma_start3A_135 : memref<1x80xi32, #tpu.memory_space<vmem>> -> memref<80xi32, #tpu.memory_space<vmem>>
          %dma_start3A_137 = arith.constant 0 : i32
          %dma_start3A_138 = arith.constant 0 : i32
          %dma_start3A_139 = tpu.memref_slice %arg2[%dma_start3A_137, %dma_start3A_138] : memref<100000x64xf32, #tpu.memory_space<hbm>> -> memref<100000x64xf32, #tpu.memory_space<hbm>>
          tpu.enqueue_indirect_dma source(%dma_start3A_139 : memref<100000x64xf32, #tpu.memory_space<hbm>>) target(%dma_start3A_133 : memref<80x64xf32, #tpu.memory_space<vmem>>) offsets(%dma_start3A_136 : memref<80xi32, #tpu.memory_space<vmem>>) semaphore(%arg13 : memref<!tpu.dma_semaphore, #tpu.memory_space<semaphore_mem>>)
        } else {
        }
      } else {
      }
      %add3A_96 = arith.constant 2 : i32
      %add3A_97 = arith.addi %mul3A_82, %add3A_96 : i32
      %lt3A_98 = arith.constant 129 : i32
      %lt3A_99 = arith.cmpi slt, %add3A_97, %lt3A_98 : i32
      %convert_element_type3A_100 = arith.extui %lt3A_99 : i1 to i32
      %cond3A_101 = arith.constant 2 : i32
      %cond3A_102 = arith.constant 0 : i32
      %cond3A_103 = arith.cmpi ne, %convert_element_type3A_100, %cond3A_102 : i32
      scf.if %cond3A_103 {
        %dma_wait3A = arith.constant 0 : i32
        %dma_wait3A_112 = arith.constant 0 : i32
        %dma_wait3A_113 = tpu.memref_slice %arg10[%cond3A_101, %dma_wait3A, %dma_wait3A_112] : memref<4x80x64xf32, #tpu.memory_space<vmem>> -> memref<1x80x64xf32, #tpu.memory_space<vmem>>
        %dma_wait3A_114 = tpu.memref_squeeze %dma_wait3A_113 : memref<1x80x64xf32, #tpu.memory_space<vmem>> -> memref<80x64xf32, #tpu.memory_space<vmem>>
        %dma_wait3A_115 = arith.constant 0 : i32
        %dma_wait3A_116 = tpu.memref_slice %arg6[%cond3A_101, %dma_wait3A_115] : memref<129x80xi32, #tpu.memory_space<vmem>> -> memref<1x80xi32, #tpu.memory_space<vmem>>
        %dma_wait3A_117 = tpu.memref_squeeze %dma_wait3A_116 : memref<1x80xi32, #tpu.memory_space<vmem>> -> memref<80xi32, #tpu.memory_space<vmem>>
        %dma_wait3A_118 = arith.constant 0 : i32
        %dma_wait3A_119 = arith.constant 0 : i32
        %dma_wait3A_120 = tpu.memref_slice %arg2[%dma_wait3A_118, %dma_wait3A_119] : memref<100000x64xf32, #tpu.memory_space<hbm>> -> memref<100000x64xf32, #tpu.memory_space<hbm>>
        tpu.wait_indirect_dma semaphore(%arg14 : memref<!tpu.dma_semaphore, #tpu.memory_space<semaphore_mem>>) src(%dma_wait3A_120 : memref<100000x64xf32, #tpu.memory_space<hbm>>) dst(%dma_wait3A_114 : memref<80x64xf32, #tpu.memory_space<vmem>>)
        "tpu.region"() ({
          %run_scoped3A_128 = tpu.sem_alloc : memref<!tpu.dma_semaphore, #tpu.memory_space<semaphore_mem>>
          %dma_start3A_129 = arith.constant 0 : i32
          %dma_start3A_130 = arith.constant 0 : i32
          %dma_start3A_131 = tpu.memref_slice %arg10[%cond3A_101, %dma_start3A_129, %dma_start3A_130] : memref<4x80x64xf32, #tpu.memory_space<vmem>> -> memref<1x80x64xf32, #tpu.memory_space<vmem>>
          %dma_start3A_132 = tpu.memref_squeeze %dma_start3A_131 : memref<1x80x64xf32, #tpu.memory_space<vmem>> -> memref<80x64xf32, #tpu.memory_space<vmem>>
          %dma_start3A_133 = arith.constant 0 : i32
          %dma_start3A_134 = tpu.memref_slice %arg7[%add3A_97, %dma_start3A_133] : memref<129x80xi32, #tpu.memory_space<vmem>> -> memref<1x80xi32, #tpu.memory_space<vmem>>
          %dma_start3A_135 = tpu.memref_squeeze %dma_start3A_134 : memref<1x80xi32, #tpu.memory_space<vmem>> -> memref<80xi32, #tpu.memory_space<vmem>>
          %dma_start3A_136 = arith.constant 0 : i32
          %dma_start3A_137 = arith.constant 0 : i32
          %dma_start3A_138 = tpu.memref_slice %arg11[%dma_start3A_136, %dma_start3A_137] : memref<10240x64xf32, #tpu.memory_space<vmem_shared>> -> memref<10240x64xf32, #tpu.memory_space<vmem_shared>>
          tpu.enqueue_indirect_dma source(%dma_start3A_132 : memref<80x64xf32, #tpu.memory_space<vmem>>) target(%dma_start3A_138 : memref<10240x64xf32, #tpu.memory_space<vmem_shared>>) offsets(%dma_start3A_135 : memref<80xi32, #tpu.memory_space<vmem>>) semaphore(%run_scoped3A_128 : memref<!tpu.dma_semaphore, #tpu.memory_space<semaphore_mem>>) {add = true}
          %dma_wait3A_139 = arith.constant 0 : i32
          %dma_wait3A_140 = arith.constant 0 : i32
          %dma_wait3A_141 = tpu.memref_slice %arg10[%cond3A_101, %dma_wait3A_139, %dma_wait3A_140] : memref<4x80x64xf32, #tpu.memory_space<vmem>> -> memref<1x80x64xf32, #tpu.memory_space<vmem>>
          %dma_wait3A_142 = tpu.memref_squeeze %dma_wait3A_141 : memref<1x80x64xf32, #tpu.memory_space<vmem>> -> memref<80x64xf32, #tpu.memory_space<vmem>>
          %dma_wait3A_143 = arith.constant 0 : i32
          %dma_wait3A_144 = tpu.memref_slice %arg7[%add3A_97, %dma_wait3A_143] : memref<129x80xi32, #tpu.memory_space<vmem>> -> memref<1x80xi32, #tpu.memory_space<vmem>>
          %dma_wait3A_145 = tpu.memref_squeeze %dma_wait3A_144 : memref<1x80xi32, #tpu.memory_space<vmem>> -> memref<80xi32, #tpu.memory_space<vmem>>
          %dma_wait3A_146 = arith.constant 0 : i32
          %dma_wait3A_147 = arith.constant 0 : i32
          %dma_wait3A_148 = tpu.memref_slice %arg11[%dma_wait3A_146, %dma_wait3A_147] : memref<10240x64xf32, #tpu.memory_space<vmem_shared>> -> memref<10240x64xf32, #tpu.memory_space<vmem_shared>>
          tpu.wait_indirect_dma semaphore(%run_scoped3A_128 : memref<!tpu.dma_semaphore, #tpu.memory_space<semaphore_mem>>) src(%dma_wait3A_142 : memref<80x64xf32, #tpu.memory_space<vmem>>) dst(%dma_wait3A_148 : memref<10240x64xf32, #tpu.memory_space<vmem_shared>>)
          tpu.yield
        }) : () -> ()
        %add3A_121 = arith.constant 4 : i32
        %add3A_122 = arith.addi %add3A_97, %add3A_121 : i32
        %lt3A_123 = arith.constant 129 : i32
        %lt3A_124 = arith.cmpi slt, %add3A_122, %lt3A_123 : i32
        %convert_element_type3A_125 = arith.extui %lt3A_124 : i1 to i32
        %cond3A_126 = arith.constant 0 : i32
        %cond3A_127 = arith.cmpi ne, %convert_element_type3A_125, %cond3A_126 : i32
        scf.if %cond3A_127 {
          %add3A_128 = arith.constant 4 : i32
          %add3A_129 = arith.addi %add3A_97, %add3A_128 : i32
          %dma_start3A_130 = arith.constant 0 : i32
          %dma_start3A_131 = arith.constant 0 : i32
          %dma_start3A_132 = tpu.memref_slice %arg10[%cond3A_101, %dma_start3A_130, %dma_start3A_131] : memref<4x80x64xf32, #tpu.memory_space<vmem>> -> memref<1x80x64xf32, #tpu.memory_space<vmem>>
          %dma_start3A_133 = tpu.memref_squeeze %dma_start3A_132 : memref<1x80x64xf32, #tpu.memory_space<vmem>> -> memref<80x64xf32, #tpu.memory_space<vmem>>
          %dma_start3A_134 = arith.constant 0 : i32
          %dma_start3A_135 = tpu.memref_slice %arg6[%add3A_129, %dma_start3A_134] : memref<129x80xi32, #tpu.memory_space<vmem>> -> memref<1x80xi32, #tpu.memory_space<vmem>>
          %dma_start3A_136 = tpu.memref_squeeze %dma_start3A_135 : memref<1x80xi32, #tpu.memory_space<vmem>> -> memref<80xi32, #tpu.memory_space<vmem>>
          %dma_start3A_137 = arith.constant 0 : i32
          %dma_start3A_138 = arith.constant 0 : i32
          %dma_start3A_139 = tpu.memref_slice %arg2[%dma_start3A_137, %dma_start3A_138] : memref<100000x64xf32, #tpu.memory_space<hbm>> -> memref<100000x64xf32, #tpu.memory_space<hbm>>
          tpu.enqueue_indirect_dma source(%dma_start3A_139 : memref<100000x64xf32, #tpu.memory_space<hbm>>) target(%dma_start3A_133 : memref<80x64xf32, #tpu.memory_space<vmem>>) offsets(%dma_start3A_136 : memref<80xi32, #tpu.memory_space<vmem>>) semaphore(%arg14 : memref<!tpu.dma_semaphore, #tpu.memory_space<semaphore_mem>>)
        } else {
        }
      } else {
      }
      %add3A_104 = arith.constant 3 : i32
      %add3A_105 = arith.addi %mul3A_82, %add3A_104 : i32
      %lt3A_106 = arith.constant 129 : i32
      %lt3A_107 = arith.cmpi slt, %add3A_105, %lt3A_106 : i32
      %convert_element_type3A_108 = arith.extui %lt3A_107 : i1 to i32
      %cond3A_109 = arith.constant 3 : i32
      %cond3A_110 = arith.constant 0 : i32
      %cond3A_111 = arith.cmpi ne, %convert_element_type3A_108, %cond3A_110 : i32
      scf.if %cond3A_111 {
        %dma_wait3A = arith.constant 0 : i32
        %dma_wait3A_112 = arith.constant 0 : i32
        %dma_wait3A_113 = tpu.memref_slice %arg10[%cond3A_109, %dma_wait3A, %dma_wait3A_112] : memref<4x80x64xf32, #tpu.memory_space<vmem>> -> memref<1x80x64xf32, #tpu.memory_space<vmem>>
        %dma_wait3A_114 = tpu.memref_squeeze %dma_wait3A_113 : memref<1x80x64xf32, #tpu.memory_space<vmem>> -> memref<80x64xf32, #tpu.memory_space<vmem>>
        %dma_wait3A_115 = arith.constant 0 : i32
        %dma_wait3A_116 = tpu.memref_slice %arg6[%cond3A_109, %dma_wait3A_115] : memref<129x80xi32, #tpu.memory_space<vmem>> -> memref<1x80xi32, #tpu.memory_space<vmem>>
        %dma_wait3A_117 = tpu.memref_squeeze %dma_wait3A_116 : memref<1x80xi32, #tpu.memory_space<vmem>> -> memref<80xi32, #tpu.memory_space<vmem>>
        %dma_wait3A_118 = arith.constant 0 : i32
        %dma_wait3A_119 = arith.constant 0 : i32
        %dma_wait3A_120 = tpu.memref_slice %arg2[%dma_wait3A_118, %dma_wait3A_119] : memref<100000x64xf32, #tpu.memory_space<hbm>> -> memref<100000x64xf32, #tpu.memory_space<hbm>>
        tpu.wait_indirect_dma semaphore(%arg15 : memref<!tpu.dma_semaphore, #tpu.memory_space<semaphore_mem>>) src(%dma_wait3A_120 : memref<100000x64xf32, #tpu.memory_space<hbm>>) dst(%dma_wait3A_114 : memref<80x64xf32, #tpu.memory_space<vmem>>)
        "tpu.region"() ({
          %run_scoped3A_128 = tpu.sem_alloc : memref<!tpu.dma_semaphore, #tpu.memory_space<semaphore_mem>>
          %dma_start3A_129 = arith.constant 0 : i32
          %dma_start3A_130 = arith.constant 0 : i32
          %dma_start3A_131 = tpu.memref_slice %arg10[%cond3A_109, %dma_start3A_129, %dma_start3A_130] : memref<4x80x64xf32, #tpu.memory_space<vmem>> -> memref<1x80x64xf32, #tpu.memory_space<vmem>>
          %dma_start3A_132 = tpu.memref_squeeze %dma_start3A_131 : memref<1x80x64xf32, #tpu.memory_space<vmem>> -> memref<80x64xf32, #tpu.memory_space<vmem>>
          %dma_start3A_133 = arith.constant 0 : i32
          %dma_start3A_134 = tpu.memref_slice %arg7[%add3A_105, %dma_start3A_133] : memref<129x80xi32, #tpu.memory_space<vmem>> -> memref<1x80xi32, #tpu.memory_space<vmem>>
          %dma_start3A_135 = tpu.memref_squeeze %dma_start3A_134 : memref<1x80xi32, #tpu.memory_space<vmem>> -> memref<80xi32, #tpu.memory_space<vmem>>
          %dma_start3A_136 = arith.constant 0 : i32
          %dma_start3A_137 = arith.constant 0 : i32
          %dma_start3A_138 = tpu.memref_slice %arg11[%dma_start3A_136, %dma_start3A_137] : memref<10240x64xf32, #tpu.memory_space<vmem_shared>> -> memref<10240x64xf32, #tpu.memory_space<vmem_shared>>
          tpu.enqueue_indirect_dma source(%dma_start3A_132 : memref<80x64xf32, #tpu.memory_space<vmem>>) target(%dma_start3A_138 : memref<10240x64xf32, #tpu.memory_space<vmem_shared>>) offsets(%dma_start3A_135 : memref<80xi32, #tpu.memory_space<vmem>>) semaphore(%run_scoped3A_128 : memref<!tpu.dma_semaphore, #tpu.memory_space<semaphore_mem>>) {add = true}
          %dma_wait3A_139 = arith.constant 0 : i32
          %dma_wait3A_140 = arith.constant 0 : i32
          %dma_wait3A_141 = tpu.memref_slice %arg10[%cond3A_109, %dma_wait3A_139, %dma_wait3A_140] : memref<4x80x64xf32, #tpu.memory_space<vmem>> -> memref<1x80x64xf32, #tpu.memory_space<vmem>>
          %dma_wait3A_142 = tpu.memref_squeeze %dma_wait3A_141 : memref<1x80x64xf32, #tpu.memory_space<vmem>> -> memref<80x64xf32, #tpu.memory_space<vmem>>
          %dma_wait3A_143 = arith.constant 0 : i32
          %dma_wait3A_144 = tpu.memref_slice %arg7[%add3A_105, %dma_wait3A_143] : memref<129x80xi32, #tpu.memory_space<vmem>> -> memref<1x80xi32, #tpu.memory_space<vmem>>
          %dma_wait3A_145 = tpu.memref_squeeze %dma_wait3A_144 : memref<1x80xi32, #tpu.memory_space<vmem>> -> memref<80xi32, #tpu.memory_space<vmem>>
          %dma_wait3A_146 = arith.constant 0 : i32
          %dma_wait3A_147 = arith.constant 0 : i32
          %dma_wait3A_148 = tpu.memref_slice %arg11[%dma_wait3A_146, %dma_wait3A_147] : memref<10240x64xf32, #tpu.memory_space<vmem_shared>> -> memref<10240x64xf32, #tpu.memory_space<vmem_shared>>
          tpu.wait_indirect_dma semaphore(%run_scoped3A_128 : memref<!tpu.dma_semaphore, #tpu.memory_space<semaphore_mem>>) src(%dma_wait3A_142 : memref<80x64xf32, #tpu.memory_space<vmem>>) dst(%dma_wait3A_148 : memref<10240x64xf32, #tpu.memory_space<vmem_shared>>)
          tpu.yield
        }) : () -> ()
        %add3A_121 = arith.constant 4 : i32
        %add3A_122 = arith.addi %add3A_105, %add3A_121 : i32
        %lt3A_123 = arith.constant 129 : i32
        %lt3A_124 = arith.cmpi slt, %add3A_122, %lt3A_123 : i32
        %convert_element_type3A_125 = arith.extui %lt3A_124 : i1 to i32
        %cond3A_126 = arith.constant 0 : i32
        %cond3A_127 = arith.cmpi ne, %convert_element_type3A_125, %cond3A_126 : i32
        scf.if %cond3A_127 {
          %add3A_128 = arith.constant 4 : i32
          %add3A_129 = arith.addi %add3A_105, %add3A_128 : i32
          %dma_start3A_130 = arith.constant 0 : i32
          %dma_start3A_131 = arith.constant 0 : i32
          %dma_start3A_132 = tpu.memref_slice %arg10[%cond3A_109, %dma_start3A_130, %dma_start3A_131] : memref<4x80x64xf32, #tpu.memory_space<vmem>> -> memref<1x80x64xf32, #tpu.memory_space<vmem>>
          %dma_start3A_133 = tpu.memref_squeeze %dma_start3A_132 : memref<1x80x64xf32, #tpu.memory_space<vmem>> -> memref<80x64xf32, #tpu.memory_space<vmem>>
          %dma_start3A_134 = arith.constant 0 : i32
          %dma_start3A_135 = tpu.memref_slice %arg6[%add3A_129, %dma_start3A_134] : memref<129x80xi32, #tpu.memory_space<vmem>> -> memref<1x80xi32, #tpu.memory_space<vmem>>
          %dma_start3A_136 = tpu.memref_squeeze %dma_start3A_135 : memref<1x80xi32, #tpu.memory_space<vmem>> -> memref<80xi32, #tpu.memory_space<vmem>>
          %dma_start3A_137 = arith.constant 0 : i32
          %dma_start3A_138 = arith.constant 0 : i32
          %dma_start3A_139 = tpu.memref_slice %arg2[%dma_start3A_137, %dma_start3A_138] : memref<100000x64xf32, #tpu.memory_space<hbm>> -> memref<100000x64xf32, #tpu.memory_space<hbm>>
          tpu.enqueue_indirect_dma source(%dma_start3A_139 : memref<100000x64xf32, #tpu.memory_space<hbm>>) target(%dma_start3A_133 : memref<80x64xf32, #tpu.memory_space<vmem>>) offsets(%dma_start3A_136 : memref<80xi32, #tpu.memory_space<vmem>>) semaphore(%arg15 : memref<!tpu.dma_semaphore, #tpu.memory_space<semaphore_mem>>)
        } else {
        }
      } else {
      }
    }
    %while3A_74 = arith.constant 1 : i32
    scf.for %while3A_80 = %while3A_72 to %while3A_68 step %while3A_74  : i32 {
      %mul3A_81 = arith.constant 4 : i32
      %mul3A_82 = arith.muli %while3A_80, %mul3A_81 : i32
      %add3A_83 = arith.constant 0 : i32
      %add3A_84 = arith.addi %mul3A_82, %add3A_83 : i32
      %lt3A = arith.constant 129 : i32
      %lt3A_85 = arith.cmpi slt, %add3A_84, %lt3A : i32
      %convert_element_type3A = arith.extui %lt3A_85 : i1 to i32
      %cond3A = arith.constant 0 : i32
      %cond3A_86 = arith.constant 0 : i32
      %cond3A_87 = arith.cmpi ne, %convert_element_type3A, %cond3A_86 : i32
      scf.if %cond3A_87 {
        %dma_wait3A = arith.constant 0 : i32
        %dma_wait3A_112 = arith.constant 0 : i32
        %dma_wait3A_113 = tpu.memref_slice %arg10[%cond3A, %dma_wait3A, %dma_wait3A_112] : memref<4x80x64xf32, #tpu.memory_space<vmem>> -> memref<1x80x64xf32, #tpu.memory_space<vmem>>
        %dma_wait3A_114 = tpu.memref_squeeze %dma_wait3A_113 : memref<1x80x64xf32, #tpu.memory_space<vmem>> -> memref<80x64xf32, #tpu.memory_space<vmem>>
        %dma_wait3A_115 = arith.constant 0 : i32
        %dma_wait3A_116 = tpu.memref_slice %arg6[%cond3A, %dma_wait3A_115] : memref<129x80xi32, #tpu.memory_space<vmem>> -> memref<1x80xi32, #tpu.memory_space<vmem>>
        %dma_wait3A_117 = tpu.memref_squeeze %dma_wait3A_116 : memref<1x80xi32, #tpu.memory_space<vmem>> -> memref<80xi32, #tpu.memory_space<vmem>>
        %dma_wait3A_118 = arith.constant 0 : i32
        %dma_wait3A_119 = arith.constant 0 : i32
        %dma_wait3A_120 = tpu.memref_slice %arg2[%dma_wait3A_118, %dma_wait3A_119] : memref<100000x64xf32, #tpu.memory_space<hbm>> -> memref<100000x64xf32, #tpu.memory_space<hbm>>
        tpu.wait_indirect_dma semaphore(%arg12 : memref<!tpu.dma_semaphore, #tpu.memory_space<semaphore_mem>>) src(%dma_wait3A_120 : memref<100000x64xf32, #tpu.memory_space<hbm>>) dst(%dma_wait3A_114 : memref<80x64xf32, #tpu.memory_space<vmem>>)
        "tpu.region"() ({
          %run_scoped3A_128 = tpu.sem_alloc : memref<!tpu.dma_semaphore, #tpu.memory_space<semaphore_mem>>
          %dma_start3A_129 = arith.constant 0 : i32
          %dma_start3A_130 = arith.constant 0 : i32
          %dma_start3A_131 = tpu.memref_slice %arg10[%cond3A, %dma_start3A_129, %dma_start3A_130] : memref<4x80x64xf32, #tpu.memory_space<vmem>> -> memref<1x80x64xf32, #tpu.memory_space<vmem>>
          %dma_start3A_132 = tpu.memref_squeeze %dma_start3A_131 : memref<1x80x64xf32, #tpu.memory_space<vmem>> -> memref<80x64xf32, #tpu.memory_space<vmem>>
          %dma_start3A_133 = arith.constant 0 : i32
          %dma_start3A_134 = tpu.memref_slice %arg7[%add3A_84, %dma_start3A_133] : memref<129x80xi32, #tpu.memory_space<vmem>> -> memref<1x80xi32, #tpu.memory_space<vmem>>
          %dma_start3A_135 = tpu.memref_squeeze %dma_start3A_134 : memref<1x80xi32, #tpu.memory_space<vmem>> -> memref<80xi32, #tpu.memory_space<vmem>>
          %dma_start3A_136 = arith.constant 0 : i32
          %dma_start3A_137 = arith.constant 0 : i32
          %dma_start3A_138 = tpu.memref_slice %arg11[%dma_start3A_136, %dma_start3A_137] : memref<10240x64xf32, #tpu.memory_space<vmem_shared>> -> memref<10240x64xf32, #tpu.memory_space<vmem_shared>>
          tpu.enqueue_indirect_dma source(%dma_start3A_132 : memref<80x64xf32, #tpu.memory_space<vmem>>) target(%dma_start3A_138 : memref<10240x64xf32, #tpu.memory_space<vmem_shared>>) offsets(%dma_start3A_135 : memref<80xi32, #tpu.memory_space<vmem>>) semaphore(%run_scoped3A_128 : memref<!tpu.dma_semaphore, #tpu.memory_space<semaphore_mem>>) {add = true}
          %dma_wait3A_139 = arith.constant 0 : i32
          %dma_wait3A_140 = arith.constant 0 : i32
          %dma_wait3A_141 = tpu.memref_slice %arg10[%cond3A, %dma_wait3A_139, %dma_wait3A_140] : memref<4x80x64xf32, #tpu.memory_space<vmem>> -> memref<1x80x64xf32, #tpu.memory_space<vmem>>
          %dma_wait3A_142 = tpu.memref_squeeze %dma_wait3A_141 : memref<1x80x64xf32, #tpu.memory_space<vmem>> -> memref<80x64xf32, #tpu.memory_space<vmem>>
          %dma_wait3A_143 = arith.constant 0 : i32
          %dma_wait3A_144 = tpu.memref_slice %arg7[%add3A_84, %dma_wait3A_143] : memref<129x80xi32, #tpu.memory_space<vmem>> -> memref<1x80xi32, #tpu.memory_space<vmem>>
          %dma_wait3A_145 = tpu.memref_squeeze %dma_wait3A_144 : memref<1x80xi32, #tpu.memory_space<vmem>> -> memref<80xi32, #tpu.memory_space<vmem>>
          %dma_wait3A_146 = arith.constant 0 : i32
          %dma_wait3A_147 = arith.constant 0 : i32
          %dma_wait3A_148 = tpu.memref_slice %arg11[%dma_wait3A_146, %dma_wait3A_147] : memref<10240x64xf32, #tpu.memory_space<vmem_shared>> -> memref<10240x64xf32, #tpu.memory_space<vmem_shared>>
          tpu.wait_indirect_dma semaphore(%run_scoped3A_128 : memref<!tpu.dma_semaphore, #tpu.memory_space<semaphore_mem>>) src(%dma_wait3A_142 : memref<80x64xf32, #tpu.memory_space<vmem>>) dst(%dma_wait3A_148 : memref<10240x64xf32, #tpu.memory_space<vmem_shared>>)
          tpu.yield
        }) : () -> ()
        %add3A_121 = arith.constant 4 : i32
        %add3A_122 = arith.addi %add3A_84, %add3A_121 : i32
        %lt3A_123 = arith.constant 129 : i32
        %lt3A_124 = arith.cmpi slt, %add3A_122, %lt3A_123 : i32
        %convert_element_type3A_125 = arith.extui %lt3A_124 : i1 to i32
        %cond3A_126 = arith.constant 0 : i32
        %cond3A_127 = arith.cmpi ne, %convert_element_type3A_125, %cond3A_126 : i32
        scf.if %cond3A_127 {
          %add3A_128 = arith.constant 4 : i32
          %add3A_129 = arith.addi %add3A_84, %add3A_128 : i32
          %dma_start3A_130 = arith.constant 0 : i32
          %dma_start3A_131 = arith.constant 0 : i32
          %dma_start3A_132 = tpu.memref_slice %arg10[%cond3A, %dma_start3A_130, %dma_start3A_131] : memref<4x80x64xf32, #tpu.memory_space<vmem>> -> memref<1x80x64xf32, #tpu.memory_space<vmem>>
          %dma_start3A_133 = tpu.memref_squeeze %dma_start3A_132 : memref<1x80x64xf32, #tpu.memory_space<vmem>> -> memref<80x64xf32, #tpu.memory_space<vmem>>
          %dma_start3A_134 = arith.constant 0 : i32
          %dma_start3A_135 = tpu.memref_slice %arg6[%add3A_129, %dma_start3A_134] : memref<129x80xi32, #tpu.memory_space<vmem>> -> memref<1x80xi32, #tpu.memory_space<vmem>>
          %dma_start3A_136 = tpu.memref_squeeze %dma_start3A_135 : memref<1x80xi32, #tpu.memory_space<vmem>> -> memref<80xi32, #tpu.memory_space<vmem>>
          %dma_start3A_137 = arith.constant 0 : i32
          %dma_start3A_138 = arith.constant 0 : i32
          %dma_start3A_139 = tpu.memref_slice %arg2[%dma_start3A_137, %dma_start3A_138] : memref<100000x64xf32, #tpu.memory_space<hbm>> -> memref<100000x64xf32, #tpu.memory_space<hbm>>
          tpu.enqueue_indirect_dma source(%dma_start3A_139 : memref<100000x64xf32, #tpu.memory_space<hbm>>) target(%dma_start3A_133 : memref<80x64xf32, #tpu.memory_space<vmem>>) offsets(%dma_start3A_136 : memref<80xi32, #tpu.memory_space<vmem>>) semaphore(%arg12 : memref<!tpu.dma_semaphore, #tpu.memory_space<semaphore_mem>>)
        } else {
        }
      } else {
      }
      %add3A_88 = arith.constant 1 : i32
      %add3A_89 = arith.addi %mul3A_82, %add3A_88 : i32
      %lt3A_90 = arith.constant 129 : i32
      %lt3A_91 = arith.cmpi slt, %add3A_89, %lt3A_90 : i32
      %convert_element_type3A_92 = arith.extui %lt3A_91 : i1 to i32
      %cond3A_93 = arith.constant 1 : i32
      %cond3A_94 = arith.constant 0 : i32
      %cond3A_95 = arith.cmpi ne, %convert_element_type3A_92, %cond3A_94 : i32
      scf.if %cond3A_95 {
        %dma_wait3A = arith.constant 0 : i32
        %dma_wait3A_112 = arith.constant 0 : i32
        %dma_wait3A_113 = tpu.memref_slice %arg10[%cond3A_93, %dma_wait3A, %dma_wait3A_112] : memref<4x80x64xf32, #tpu.memory_space<vmem>> -> memref<1x80x64xf32, #tpu.memory_space<vmem>>
        %dma_wait3A_114 = tpu.memref_squeeze %dma_wait3A_113 : memref<1x80x64xf32, #tpu.memory_space<vmem>> -> memref<80x64xf32, #tpu.memory_space<vmem>>
        %dma_wait3A_115 = arith.constant 0 : i32
        %dma_wait3A_116 = tpu.memref_slice %arg6[%cond3A_93, %dma_wait3A_115] : memref<129x80xi32, #tpu.memory_space<vmem>> -> memref<1x80xi32, #tpu.memory_space<vmem>>
        %dma_wait3A_117 = tpu.memref_squeeze %dma_wait3A_116 : memref<1x80xi32, #tpu.memory_space<vmem>> -> memref<80xi32, #tpu.memory_space<vmem>>
        %dma_wait3A_118 = arith.constant 0 : i32
        %dma_wait3A_119 = arith.constant 0 : i32
        %dma_wait3A_120 = tpu.memref_slice %arg2[%dma_wait3A_118, %dma_wait3A_119] : memref<100000x64xf32, #tpu.memory_space<hbm>> -> memref<100000x64xf32, #tpu.memory_space<hbm>>
        tpu.wait_indirect_dma semaphore(%arg13 : memref<!tpu.dma_semaphore, #tpu.memory_space<semaphore_mem>>) src(%dma_wait3A_120 : memref<100000x64xf32, #tpu.memory_space<hbm>>) dst(%dma_wait3A_114 : memref<80x64xf32, #tpu.memory_space<vmem>>)
        "tpu.region"() ({
          %run_scoped3A_128 = tpu.sem_alloc : memref<!tpu.dma_semaphore, #tpu.memory_space<semaphore_mem>>
          %dma_start3A_129 = arith.constant 0 : i32
          %dma_start3A_130 = arith.constant 0 : i32
          %dma_start3A_131 = tpu.memref_slice %arg10[%cond3A_93, %dma_start3A_129, %dma_start3A_130] : memref<4x80x64xf32, #tpu.memory_space<vmem>> -> memref<1x80x64xf32, #tpu.memory_space<vmem>>
          %dma_start3A_132 = tpu.memref_squeeze %dma_start3A_131 : memref<1x80x64xf32, #tpu.memory_space<vmem>> -> memref<80x64xf32, #tpu.memory_space<vmem>>
          %dma_start3A_133 = arith.constant 0 : i32
          %dma_start3A_134 = tpu.memref_slice %arg7[%add3A_89, %dma_start3A_133] : memref<129x80xi32, #tpu.memory_space<vmem>> -> memref<1x80xi32, #tpu.memory_space<vmem>>
          %dma_start3A_135 = tpu.memref_squeeze %dma_start3A_134 : memref<1x80xi32, #tpu.memory_space<vmem>> -> memref<80xi32, #tpu.memory_space<vmem>>
          %dma_start3A_136 = arith.constant 0 : i32
          %dma_start3A_137 = arith.constant 0 : i32
          %dma_start3A_138 = tpu.memref_slice %arg11[%dma_start3A_136, %dma_start3A_137] : memref<10240x64xf32, #tpu.memory_space<vmem_shared>> -> memref<10240x64xf32, #tpu.memory_space<vmem_shared>>
          tpu.enqueue_indirect_dma source(%dma_start3A_132 : memref<80x64xf32, #tpu.memory_space<vmem>>) target(%dma_start3A_138 : memref<10240x64xf32, #tpu.memory_space<vmem_shared>>) offsets(%dma_start3A_135 : memref<80xi32, #tpu.memory_space<vmem>>) semaphore(%run_scoped3A_128 : memref<!tpu.dma_semaphore, #tpu.memory_space<semaphore_mem>>) {add = true}
          %dma_wait3A_139 = arith.constant 0 : i32
          %dma_wait3A_140 = arith.constant 0 : i32
          %dma_wait3A_141 = tpu.memref_slice %arg10[%cond3A_93, %dma_wait3A_139, %dma_wait3A_140] : memref<4x80x64xf32, #tpu.memory_space<vmem>> -> memref<1x80x64xf32, #tpu.memory_space<vmem>>
          %dma_wait3A_142 = tpu.memref_squeeze %dma_wait3A_141 : memref<1x80x64xf32, #tpu.memory_space<vmem>> -> memref<80x64xf32, #tpu.memory_space<vmem>>
          %dma_wait3A_143 = arith.constant 0 : i32
          %dma_wait3A_144 = tpu.memref_slice %arg7[%add3A_89, %dma_wait3A_143] : memref<129x80xi32, #tpu.memory_space<vmem>> -> memref<1x80xi32, #tpu.memory_space<vmem>>
          %dma_wait3A_145 = tpu.memref_squeeze %dma_wait3A_144 : memref<1x80xi32, #tpu.memory_space<vmem>> -> memref<80xi32, #tpu.memory_space<vmem>>
          %dma_wait3A_146 = arith.constant 0 : i32
          %dma_wait3A_147 = arith.constant 0 : i32
          %dma_wait3A_148 = tpu.memref_slice %arg11[%dma_wait3A_146, %dma_wait3A_147] : memref<10240x64xf32, #tpu.memory_space<vmem_shared>> -> memref<10240x64xf32, #tpu.memory_space<vmem_shared>>
          tpu.wait_indirect_dma semaphore(%run_scoped3A_128 : memref<!tpu.dma_semaphore, #tpu.memory_space<semaphore_mem>>) src(%dma_wait3A_142 : memref<80x64xf32, #tpu.memory_space<vmem>>) dst(%dma_wait3A_148 : memref<10240x64xf32, #tpu.memory_space<vmem_shared>>)
          tpu.yield
        }) : () -> ()
        %add3A_121 = arith.constant 4 : i32
        %add3A_122 = arith.addi %add3A_89, %add3A_121 : i32
        %lt3A_123 = arith.constant 129 : i32
        %lt3A_124 = arith.cmpi slt, %add3A_122, %lt3A_123 : i32
        %convert_element_type3A_125 = arith.extui %lt3A_124 : i1 to i32
        %cond3A_126 = arith.constant 0 : i32
        %cond3A_127 = arith.cmpi ne, %convert_element_type3A_125, %cond3A_126 : i32
        scf.if %cond3A_127 {
          %add3A_128 = arith.constant 4 : i32
          %add3A_129 = arith.addi %add3A_89, %add3A_128 : i32
          %dma_start3A_130 = arith.constant 0 : i32
          %dma_start3A_131 = arith.constant 0 : i32
          %dma_start3A_132 = tpu.memref_slice %arg10[%cond3A_93, %dma_start3A_130, %dma_start3A_131] : memref<4x80x64xf32, #tpu.memory_space<vmem>> -> memref<1x80x64xf32, #tpu.memory_space<vmem>>
          %dma_start3A_133 = tpu.memref_squeeze %dma_start3A_132 : memref<1x80x64xf32, #tpu.memory_space<vmem>> -> memref<80x64xf32, #tpu.memory_space<vmem>>
          %dma_start3A_134 = arith.constant 0 : i32
          %dma_start3A_135 = tpu.memref_slice %arg6[%add3A_129, %dma_start3A_134] : memref<129x80xi32, #tpu.memory_space<vmem>> -> memref<1x80xi32, #tpu.memory_space<vmem>>
          %dma_start3A_136 = tpu.memref_squeeze %dma_start3A_135 : memref<1x80xi32, #tpu.memory_space<vmem>> -> memref<80xi32, #tpu.memory_space<vmem>>
          %dma_start3A_137 = arith.constant 0 : i32
          %dma_start3A_138 = arith.constant 0 : i32
          %dma_start3A_139 = tpu.memref_slice %arg2[%dma_start3A_137, %dma_start3A_138] : memref<100000x64xf32, #tpu.memory_space<hbm>> -> memref<100000x64xf32, #tpu.memory_space<hbm>>
          tpu.enqueue_indirect_dma source(%dma_start3A_139 : memref<100000x64xf32, #tpu.memory_space<hbm>>) target(%dma_start3A_133 : memref<80x64xf32, #tpu.memory_space<vmem>>) offsets(%dma_start3A_136 : memref<80xi32, #tpu.memory_space<vmem>>) semaphore(%arg13 : memref<!tpu.dma_semaphore, #tpu.memory_space<semaphore_mem>>)
        } else {
        }
      } else {
      }
      %add3A_96 = arith.constant 2 : i32
      %add3A_97 = arith.addi %mul3A_82, %add3A_96 : i32
      %lt3A_98 = arith.constant 129 : i32
      %lt3A_99 = arith.cmpi slt, %add3A_97, %lt3A_98 : i32
      %convert_element_type3A_100 = arith.extui %lt3A_99 : i1 to i32
      %cond3A_101 = arith.constant 2 : i32
      %cond3A_102 = arith.constant 0 : i32
      %cond3A_103 = arith.cmpi ne, %convert_element_type3A_100, %cond3A_102 : i32
      scf.if %cond3A_103 {
        %dma_wait3A = arith.constant 0 : i32
        %dma_wait3A_112 = arith.constant 0 : i32
        %dma_wait3A_113 = tpu.memref_slice %arg10[%cond3A_101, %dma_wait3A, %dma_wait3A_112] : memref<4x80x64xf32, #tpu.memory_space<vmem>> -> memref<1x80x64xf32, #tpu.memory_space<vmem>>
        %dma_wait3A_114 = tpu.memref_squeeze %dma_wait3A_113 : memref<1x80x64xf32, #tpu.memory_space<vmem>> -> memref<80x64xf32, #tpu.memory_space<vmem>>
        %dma_wait3A_115 = arith.constant 0 : i32
        %dma_wait3A_116 = tpu.memref_slice %arg6[%cond3A_101, %dma_wait3A_115] : memref<129x80xi32, #tpu.memory_space<vmem>> -> memref<1x80xi32, #tpu.memory_space<vmem>>
        %dma_wait3A_117 = tpu.memref_squeeze %dma_wait3A_116 : memref<1x80xi32, #tpu.memory_space<vmem>> -> memref<80xi32, #tpu.memory_space<vmem>>
        %dma_wait3A_118 = arith.constant 0 : i32
        %dma_wait3A_119 = arith.constant 0 : i32
        %dma_wait3A_120 = tpu.memref_slice %arg2[%dma_wait3A_118, %dma_wait3A_119] : memref<100000x64xf32, #tpu.memory_space<hbm>> -> memref<100000x64xf32, #tpu.memory_space<hbm>>
        tpu.wait_indirect_dma semaphore(%arg14 : memref<!tpu.dma_semaphore, #tpu.memory_space<semaphore_mem>>) src(%dma_wait3A_120 : memref<100000x64xf32, #tpu.memory_space<hbm>>) dst(%dma_wait3A_114 : memref<80x64xf32, #tpu.memory_space<vmem>>)
        "tpu.region"() ({
          %run_scoped3A_128 = tpu.sem_alloc : memref<!tpu.dma_semaphore, #tpu.memory_space<semaphore_mem>>
          %dma_start3A_129 = arith.constant 0 : i32
          %dma_start3A_130 = arith.constant 0 : i32
          %dma_start3A_131 = tpu.memref_slice %arg10[%cond3A_101, %dma_start3A_129, %dma_start3A_130] : memref<4x80x64xf32, #tpu.memory_space<vmem>> -> memref<1x80x64xf32, #tpu.memory_space<vmem>>
          %dma_start3A_132 = tpu.memref_squeeze %dma_start3A_131 : memref<1x80x64xf32, #tpu.memory_space<vmem>> -> memref<80x64xf32, #tpu.memory_space<vmem>>
          %dma_start3A_133 = arith.constant 0 : i32
          %dma_start3A_134 = tpu.memref_slice %arg7[%add3A_97, %dma_start3A_133] : memref<129x80xi32, #tpu.memory_space<vmem>> -> memref<1x80xi32, #tpu.memory_space<vmem>>
          %dma_start3A_135 = tpu.memref_squeeze %dma_start3A_134 : memref<1x80xi32, #tpu.memory_space<vmem>> -> memref<80xi32, #tpu.memory_space<vmem>>
          %dma_start3A_136 = arith.constant 0 : i32
          %dma_start3A_137 = arith.constant 0 : i32
          %dma_start3A_138 = tpu.memref_slice %arg11[%dma_start3A_136, %dma_start3A_137] : memref<10240x64xf32, #tpu.memory_space<vmem_shared>> -> memref<10240x64xf32, #tpu.memory_space<vmem_shared>>
          tpu.enqueue_indirect_dma source(%dma_start3A_132 : memref<80x64xf32, #tpu.memory_space<vmem>>) target(%dma_start3A_138 : memref<10240x64xf32, #tpu.memory_space<vmem_shared>>) offsets(%dma_start3A_135 : memref<80xi32, #tpu.memory_space<vmem>>) semaphore(%run_scoped3A_128 : memref<!tpu.dma_semaphore, #tpu.memory_space<semaphore_mem>>) {add = true}
          %dma_wait3A_139 = arith.constant 0 : i32
          %dma_wait3A_140 = arith.constant 0 : i32
          %dma_wait3A_141 = tpu.memref_slice %arg10[%cond3A_101, %dma_wait3A_139, %dma_wait3A_140] : memref<4x80x64xf32, #tpu.memory_space<vmem>> -> memref<1x80x64xf32, #tpu.memory_space<vmem>>
          %dma_wait3A_142 = tpu.memref_squeeze %dma_wait3A_141 : memref<1x80x64xf32, #tpu.memory_space<vmem>> -> memref<80x64xf32, #tpu.memory_space<vmem>>
          %dma_wait3A_143 = arith.constant 0 : i32
          %dma_wait3A_144 = tpu.memref_slice %arg7[%add3A_97, %dma_wait3A_143] : memref<129x80xi32, #tpu.memory_space<vmem>> -> memref<1x80xi32, #tpu.memory_space<vmem>>
          %dma_wait3A_145 = tpu.memref_squeeze %dma_wait3A_144 : memref<1x80xi32, #tpu.memory_space<vmem>> -> memref<80xi32, #tpu.memory_space<vmem>>
          %dma_wait3A_146 = arith.constant 0 : i32
          %dma_wait3A_147 = arith.constant 0 : i32
          %dma_wait3A_148 = tpu.memref_slice %arg11[%dma_wait3A_146, %dma_wait3A_147] : memref<10240x64xf32, #tpu.memory_space<vmem_shared>> -> memref<10240x64xf32, #tpu.memory_space<vmem_shared>>
          tpu.wait_indirect_dma semaphore(%run_scoped3A_128 : memref<!tpu.dma_semaphore, #tpu.memory_space<semaphore_mem>>) src(%dma_wait3A_142 : memref<80x64xf32, #tpu.memory_space<vmem>>) dst(%dma_wait3A_148 : memref<10240x64xf32, #tpu.memory_space<vmem_shared>>)
          tpu.yield
        }) : () -> ()
        %add3A_121 = arith.constant 4 : i32
        %add3A_122 = arith.addi %add3A_97, %add3A_121 : i32
        %lt3A_123 = arith.constant 129 : i32
        %lt3A_124 = arith.cmpi slt, %add3A_122, %lt3A_123 : i32
        %convert_element_type3A_125 = arith.extui %lt3A_124 : i1 to i32
        %cond3A_126 = arith.constant 0 : i32
        %cond3A_127 = arith.cmpi ne, %convert_element_type3A_125, %cond3A_126 : i32
        scf.if %cond3A_127 {
          %add3A_128 = arith.constant 4 : i32
          %add3A_129 = arith.addi %add3A_97, %add3A_128 : i32
          %dma_start3A_130 = arith.constant 0 : i32
          %dma_start3A_131 = arith.constant 0 : i32
          %dma_start3A_132 = tpu.memref_slice %arg10[%cond3A_101, %dma_start3A_130, %dma_start3A_131] : memref<4x80x64xf32, #tpu.memory_space<vmem>> -> memref<1x80x64xf32, #tpu.memory_space<vmem>>
          %dma_start3A_133 = tpu.memref_squeeze %dma_start3A_132 : memref<1x80x64xf32, #tpu.memory_space<vmem>> -> memref<80x64xf32, #tpu.memory_space<vmem>>
          %dma_start3A_134 = arith.constant 0 : i32
          %dma_start3A_135 = tpu.memref_slice %arg6[%add3A_129, %dma_start3A_134] : memref<129x80xi32, #tpu.memory_space<vmem>> -> memref<1x80xi32, #tpu.memory_space<vmem>>
          %dma_start3A_136 = tpu.memref_squeeze %dma_start3A_135 : memref<1x80xi32, #tpu.memory_space<vmem>> -> memref<80xi32, #tpu.memory_space<vmem>>
          %dma_start3A_137 = arith.constant 0 : i32
          %dma_start3A_138 = arith.constant 0 : i32
          %dma_start3A_139 = tpu.memref_slice %arg2[%dma_start3A_137, %dma_start3A_138] : memref<100000x64xf32, #tpu.memory_space<hbm>> -> memref<100000x64xf32, #tpu.memory_space<hbm>>
          tpu.enqueue_indirect_dma source(%dma_start3A_139 : memref<100000x64xf32, #tpu.memory_space<hbm>>) target(%dma_start3A_133 : memref<80x64xf32, #tpu.memory_space<vmem>>) offsets(%dma_start3A_136 : memref<80xi32, #tpu.memory_space<vmem>>) semaphore(%arg14 : memref<!tpu.dma_semaphore, #tpu.memory_space<semaphore_mem>>)
        } else {
        }
      } else {
      }
      %add3A_104 = arith.constant 3 : i32
      %add3A_105 = arith.addi %mul3A_82, %add3A_104 : i32
      %lt3A_106 = arith.constant 129 : i32
      %lt3A_107 = arith.cmpi slt, %add3A_105, %lt3A_106 : i32
      %convert_element_type3A_108 = arith.extui %lt3A_107 : i1 to i32
      %cond3A_109 = arith.constant 3 : i32
      %cond3A_110 = arith.constant 0 : i32
      %cond3A_111 = arith.cmpi ne, %convert_element_type3A_108, %cond3A_110 : i32
      scf.if %cond3A_111 {
        %dma_wait3A = arith.constant 0 : i32
        %dma_wait3A_112 = arith.constant 0 : i32
        %dma_wait3A_113 = tpu.memref_slice %arg10[%cond3A_109, %dma_wait3A, %dma_wait3A_112] : memref<4x80x64xf32, #tpu.memory_space<vmem>> -> memref<1x80x64xf32, #tpu.memory_space<vmem>>
        %dma_wait3A_114 = tpu.memref_squeeze %dma_wait3A_113 : memref<1x80x64xf32, #tpu.memory_space<vmem>> -> memref<80x64xf32, #tpu.memory_space<vmem>>
        %dma_wait3A_115 = arith.constant 0 : i32
        %dma_wait3A_116 = tpu.memref_slice %arg6[%cond3A_109, %dma_wait3A_115] : memref<129x80xi32, #tpu.memory_space<vmem>> -> memref<1x80xi32, #tpu.memory_space<vmem>>
        %dma_wait3A_117 = tpu.memref_squeeze %dma_wait3A_116 : memref<1x80xi32, #tpu.memory_space<vmem>> -> memref<80xi32, #tpu.memory_space<vmem>>
        %dma_wait3A_118 = arith.constant 0 : i32
        %dma_wait3A_119 = arith.constant 0 : i32
        %dma_wait3A_120 = tpu.memref_slice %arg2[%dma_wait3A_118, %dma_wait3A_119] : memref<100000x64xf32, #tpu.memory_space<hbm>> -> memref<100000x64xf32, #tpu.memory_space<hbm>>
        tpu.wait_indirect_dma semaphore(%arg15 : memref<!tpu.dma_semaphore, #tpu.memory_space<semaphore_mem>>) src(%dma_wait3A_120 : memref<100000x64xf32, #tpu.memory_space<hbm>>) dst(%dma_wait3A_114 : memref<80x64xf32, #tpu.memory_space<vmem>>)
        "tpu.region"() ({
          %run_scoped3A_128 = tpu.sem_alloc : memref<!tpu.dma_semaphore, #tpu.memory_space<semaphore_mem>>
          %dma_start3A_129 = arith.constant 0 : i32
          %dma_start3A_130 = arith.constant 0 : i32
          %dma_start3A_131 = tpu.memref_slice %arg10[%cond3A_109, %dma_start3A_129, %dma_start3A_130] : memref<4x80x64xf32, #tpu.memory_space<vmem>> -> memref<1x80x64xf32, #tpu.memory_space<vmem>>
          %dma_start3A_132 = tpu.memref_squeeze %dma_start3A_131 : memref<1x80x64xf32, #tpu.memory_space<vmem>> -> memref<80x64xf32, #tpu.memory_space<vmem>>
          %dma_start3A_133 = arith.constant 0 : i32
          %dma_start3A_134 = tpu.memref_slice %arg7[%add3A_105, %dma_start3A_133] : memref<129x80xi32, #tpu.memory_space<vmem>> -> memref<1x80xi32, #tpu.memory_space<vmem>>
          %dma_start3A_135 = tpu.memref_squeeze %dma_start3A_134 : memref<1x80xi32, #tpu.memory_space<vmem>> -> memref<80xi32, #tpu.memory_space<vmem>>
          %dma_start3A_136 = arith.constant 0 : i32
          %dma_start3A_137 = arith.constant 0 : i32
          %dma_start3A_138 = tpu.memref_slice %arg11[%dma_start3A_136, %dma_start3A_137] : memref<10240x64xf32, #tpu.memory_space<vmem_shared>> -> memref<10240x64xf32, #tpu.memory_space<vmem_shared>>
          tpu.enqueue_indirect_dma source(%dma_start3A_132 : memref<80x64xf32, #tpu.memory_space<vmem>>) target(%dma_start3A_138 : memref<10240x64xf32, #tpu.memory_space<vmem_shared>>) offsets(%dma_start3A_135 : memref<80xi32, #tpu.memory_space<vmem>>) semaphore(%run_scoped3A_128 : memref<!tpu.dma_semaphore, #tpu.memory_space<semaphore_mem>>) {add = true}
          %dma_wait3A_139 = arith.constant 0 : i32
          %dma_wait3A_140 = arith.constant 0 : i32
          %dma_wait3A_141 = tpu.memref_slice %arg10[%cond3A_109, %dma_wait3A_139, %dma_wait3A_140] : memref<4x80x64xf32, #tpu.memory_space<vmem>> -> memref<1x80x64xf32, #tpu.memory_space<vmem>>
          %dma_wait3A_142 = tpu.memref_squeeze %dma_wait3A_141 : memref<1x80x64xf32, #tpu.memory_space<vmem>> -> memref<80x64xf32, #tpu.memory_space<vmem>>
          %dma_wait3A_143 = arith.constant 0 : i32
          %dma_wait3A_144 = tpu.memref_slice %arg7[%add3A_105, %dma_wait3A_143] : memref<129x80xi32, #tpu.memory_space<vmem>> -> memref<1x80xi32, #tpu.memory_space<vmem>>
          %dma_wait3A_145 = tpu.memref_squeeze %dma_wait3A_144 : memref<1x80xi32, #tpu.memory_space<vmem>> -> memref<80xi32, #tpu.memory_space<vmem>>
          %dma_wait3A_146 = arith.constant 0 : i32
          %dma_wait3A_147 = arith.constant 0 : i32
          %dma_wait3A_148 = tpu.memref_slice %arg11[%dma_wait3A_146, %dma_wait3A_147] : memref<10240x64xf32, #tpu.memory_space<vmem_shared>> -> memref<10240x64xf32, #tpu.memory_space<vmem_shared>>
          tpu.wait_indirect_dma semaphore(%run_scoped3A_128 : memref<!tpu.dma_semaphore, #tpu.memory_space<semaphore_mem>>) src(%dma_wait3A_142 : memref<80x64xf32, #tpu.memory_space<vmem>>) dst(%dma_wait3A_148 : memref<10240x64xf32, #tpu.memory_space<vmem_shared>>)
          tpu.yield
        }) : () -> ()
        %add3A_121 = arith.constant 4 : i32
        %add3A_122 = arith.addi %add3A_105, %add3A_121 : i32
        %lt3A_123 = arith.constant 129 : i32
        %lt3A_124 = arith.cmpi slt, %add3A_122, %lt3A_123 : i32
        %convert_element_type3A_125 = arith.extui %lt3A_124 : i1 to i32
        %cond3A_126 = arith.constant 0 : i32
        %cond3A_127 = arith.cmpi ne, %convert_element_type3A_125, %cond3A_126 : i32
        scf.if %cond3A_127 {
          %add3A_128 = arith.constant 4 : i32
          %add3A_129 = arith.addi %add3A_105, %add3A_128 : i32
          %dma_start3A_130 = arith.constant 0 : i32
          %dma_start3A_131 = arith.constant 0 : i32
          %dma_start3A_132 = tpu.memref_slice %arg10[%cond3A_109, %dma_start3A_130, %dma_start3A_131] : memref<4x80x64xf32, #tpu.memory_space<vmem>> -> memref<1x80x64xf32, #tpu.memory_space<vmem>>
          %dma_start3A_133 = tpu.memref_squeeze %dma_start3A_132 : memref<1x80x64xf32, #tpu.memory_space<vmem>> -> memref<80x64xf32, #tpu.memory_space<vmem>>
          %dma_start3A_134 = arith.constant 0 : i32
          %dma_start3A_135 = tpu.memref_slice %arg6[%add3A_129, %dma_start3A_134] : memref<129x80xi32, #tpu.memory_space<vmem>> -> memref<1x80xi32, #tpu.memory_space<vmem>>
          %dma_start3A_136 = tpu.memref_squeeze %dma_start3A_135 : memref<1x80xi32, #tpu.memory_space<vmem>> -> memref<80xi32, #tpu.memory_space<vmem>>
          %dma_start3A_137 = arith.constant 0 : i32
          %dma_start3A_138 = arith.constant 0 : i32
          %dma_start3A_139 = tpu.memref_slice %arg2[%dma_start3A_137, %dma_start3A_138] : memref<100000x64xf32, #tpu.memory_space<hbm>> -> memref<100000x64xf32, #tpu.memory_space<hbm>>
          tpu.enqueue_indirect_dma source(%dma_start3A_139 : memref<100000x64xf32, #tpu.memory_space<hbm>>) target(%dma_start3A_133 : memref<80x64xf32, #tpu.memory_space<vmem>>) offsets(%dma_start3A_136 : memref<80xi32, #tpu.memory_space<vmem>>) semaphore(%arg15 : memref<!tpu.dma_semaphore, #tpu.memory_space<semaphore_mem>>)
        } else {
        }
      } else {
      }
    }
    %barrier3A_75 = arith.constant 0 : index
    tpu.barrier barrier_id(%barrier3A_75)
    %mul3A_76 = arith.constant 640 : i32
    %mul3A_77 = arith.muli %arg1, %mul3A_76 : i32
    %mul3A_78 = arith.constant 640 : i32
    %mul3A_79 = arith.muli %arg1, %mul3A_78 : i32
    "tpu.region"() ({
      %run_scoped3A_80 = tpu.sem_alloc : memref<!tpu.dma_semaphore, #tpu.memory_space<semaphore_mem>>
      %dma_start3A_81 = arith.constant 0 : i32
      %dma_start3A_82 = tpu.memref_slice %arg5[%arg0, %mul3A_79, %dma_start3A_81] : memref<2x10240x64xf32, #tpu.memory_space<hbm>> -> memref<1x640x64xf32, #tpu.memory_space<hbm>>
      %dma_start3A_83 = tpu.memref_squeeze %dma_start3A_82 : memref<1x640x64xf32, #tpu.memory_space<hbm>> -> memref<640x64xf32, #tpu.memory_space<hbm>>
      %dma_start3A_84 = arith.constant 0 : i32
      %dma_start3A_85 = tpu.memref_slice %arg11[%mul3A_77, %dma_start3A_84] : memref<10240x64xf32, #tpu.memory_space<vmem_shared>> -> memref<640x64xf32, #tpu.memory_space<vmem_shared>>
      tpu.enqueue_dma source(%dma_start3A_85 : memref<640x64xf32, #tpu.memory_space<vmem_shared>>) target(%dma_start3A_83 : memref<640x64xf32, #tpu.memory_space<hbm>>) target_semaphore(%run_scoped3A_80 : memref<!tpu.dma_semaphore, #tpu.memory_space<semaphore_mem>>)
      %dma_wait3A = arith.constant 0 : i32
      %dma_wait3A_86 = tpu.memref_slice %arg5[%arg0, %mul3A_79, %dma_wait3A] : memref<2x10240x64xf32, #tpu.memory_space<hbm>> -> memref<1x640x64xf32, #tpu.memory_space<hbm>>
      %dma_wait3A_87 = tpu.memref_squeeze %dma_wait3A_86 : memref<1x640x64xf32, #tpu.memory_space<hbm>> -> memref<640x64xf32, #tpu.memory_space<hbm>>
      %dma_wait3A_88 = arith.constant 0 : i32
      %dma_wait3A_89 = tpu.memref_slice %arg11[%mul3A_77, %dma_wait3A_88] : memref<10240x64xf32, #tpu.memory_space<vmem_shared>> -> memref<640x64xf32, #tpu.memory_space<vmem_shared>>
      tpu.wait_dma2 semaphore(%run_scoped3A_80 : memref<!tpu.dma_semaphore, #tpu.memory_space<semaphore_mem>>) src(%dma_wait3A_89 : memref<640x64xf32, #tpu.memory_space<vmem_shared>>) dst(%dma_wait3A_87 : memref<640x64xf32, #tpu.memory_space<hbm>>)
      tpu.yield
    }) : () -> ()
    return
  }
}

module attributes {stable_mosaic.version = 14 : i64} {
  func.func @_z_body(%arg0: i32, %arg1: memref<10000x128xf32, #tpu.memory_space<vmem>>, %arg2: memref<1x2x64x128xf32, #tpu.memory_space<vmem>>, %arg3: memref<1x2x1x64xf32, #tpu.memory_space<vmem>>, %arg4: memref<10000x128xf32, #tpu.memory_space<vmem>>) attributes {dimension_semantics = [#tpu.dimension_semantics<arbitrary>], iteration_bounds = array<i64: 5>, scalar_prefetch = 0 : i64, scratch_operands = 0 : i64, tpu.core_type = #tpu.core_type<tc>, window_params = [{pipeline_mode = #tpu.pipeline_mode<synchronous>, transform_indices = @transform_0, window_bounds = array<i64: 10000, 128>}, {transform_indices = @transform_1, window_bounds = array<i64: 1, 2, 64, 128>}, {transform_indices = @transform_2, window_bounds = array<i64: 1, 2, 1, 64>}, {transform_indices = @transform_3, window_bounds = array<i64: 10000, 128>}]} {
    %get3A = arith.constant 0 : index
    %get3A_0 = arith.constant 0 : index
    %get3A_1 = vector.load %arg1[%get3A, %get3A_0] : memref<10000x128xf32, #tpu.memory_space<vmem>>, vector<10000x128xf32>
    %get3A_2 = arith.constant 0 : index
    %get3A_3 = arith.constant 0 : index
    %get3A_4 = arith.constant 0 : index
    %get3A_5 = arith.constant 0 : index
    %get3A_6 = vector.load %arg2[%get3A_2, %get3A_3, %get3A_4, %get3A_5] : memref<1x2x64x128xf32, #tpu.memory_space<vmem>>, vector<1x1x64x128xf32>
    %get3A_7 = vector.shape_cast %get3A_6 : vector<1x1x64x128xf32> to vector<64x128xf32>
    %dot_general3A = arith.constant dense<0.000000e+00> : vector<10000x64xf32>
    %dot_general3A_8 = tpu.matmul %get3A_1, %get3A_7, %dot_general3A {dimension_numbers = #tpu.dot_dimension_numbers<[1], [1], [0], [0], [0, 0, 1, 0], [], []>, transpose_lhs_hint = false} : vector<10000x128xf32>, vector<64x128xf32>, vector<10000x64xf32> -> vector<10000x64xf32>
    %get3A_9 = arith.constant 0 : index
    %get3A_10 = arith.constant 0 : index
    %get3A_11 = arith.constant 0 : index
    %get3A_12 = arith.constant 0 : index
    %get3A_13 = vector.load %arg3[%get3A_9, %get3A_10, %get3A_11, %get3A_12] : memref<1x2x1x64xf32, #tpu.memory_space<vmem>>, vector<1x1x1x64xf32>
    %get3A_14 = vector.shape_cast %get3A_13 : vector<1x1x1x64xf32> to vector<1x64xf32>
    %add3A = vector.broadcast %get3A_14 : vector<1x64xf32> to vector<10000x64xf32>
    %add3A_15 = arith.addf %dot_general3A_8, %add3A : vector<10000x64xf32>
    %get3A_16 = arith.constant 0 : index
    %get3A_17 = arith.constant 0 : index
    %get3A_18 = vector.load %arg1[%get3A_16, %get3A_17] : memref<10000x128xf32, #tpu.memory_space<vmem>>, vector<10000x128xf32>
    %get3A_19 = arith.constant 0 : index
    %get3A_20 = arith.constant 1 : index
    %get3A_21 = arith.constant 0 : index
    %get3A_22 = arith.constant 0 : index
    %get3A_23 = vector.load %arg2[%get3A_19, %get3A_20, %get3A_21, %get3A_22] : memref<1x2x64x128xf32, #tpu.memory_space<vmem>>, vector<1x1x64x128xf32>
    %get3A_24 = vector.shape_cast %get3A_23 : vector<1x1x64x128xf32> to vector<64x128xf32>
    %dot_general3A_25 = arith.constant dense<0.000000e+00> : vector<10000x64xf32>
    %dot_general3A_26 = tpu.matmul %get3A_18, %get3A_24, %dot_general3A_25 {dimension_numbers = #tpu.dot_dimension_numbers<[1], [1], [0], [0], [0, 0, 1, 0], [], []>, transpose_lhs_hint = false} : vector<10000x128xf32>, vector<64x128xf32>, vector<10000x64xf32> -> vector<10000x64xf32>
    %get3A_27 = arith.constant 0 : index
    %get3A_28 = arith.constant 1 : index
    %get3A_29 = arith.constant 0 : index
    %get3A_30 = arith.constant 0 : index
    %get3A_31 = vector.load %arg3[%get3A_27, %get3A_28, %get3A_29, %get3A_30] : memref<1x2x1x64xf32, #tpu.memory_space<vmem>>, vector<1x1x1x64xf32>
    %get3A_32 = vector.shape_cast %get3A_31 : vector<1x1x1x64xf32> to vector<1x64xf32>
    %add3A_33 = vector.broadcast %get3A_32 : vector<1x64xf32> to vector<10000x64xf32>
    %add3A_34 = arith.addf %dot_general3A_26, %add3A_33 : vector<10000x64xf32>
    %concatenate3A = tpu.concatenate %add3A_15, %add3A_34 in 1 : vector<10000x64xf32>, vector<10000x64xf32> -> vector<10000x128xf32>
    %swap3A = arith.constant 0 : index
    %swap3A_35 = arith.constant 0 : index
    %swap3A_36 = vector.load %arg4[%swap3A, %swap3A_35] : memref<10000x128xf32, #tpu.memory_space<vmem>>, vector<10000x128xf32>
    tpu.vector_store %arg4[%swap3A, %swap3A_35], %concatenate3A {strides = array<i32>} : memref<10000x128xf32, #tpu.memory_space<vmem>>, vector<10000x128xf32>,
    return
  }
  func.func @transform_0(%arg0: i32) -> (i32, i32) {
    %c0_i32 = arith.constant 0 : i32
    %c0_i32_0 = arith.constant 0 : i32
    %c0_i32_1 = arith.constant 0 : i32
    return %c0_i32, %c0_i32_0 : i32, i32
  }
  func.func @transform_1(%arg0: i32) -> (i32, i32, i32, i32) {
    %c0_i32 = arith.constant 0 : i32
    %c0_i32_0 = arith.constant 0 : i32
    %c0_i32_1 = arith.constant 0 : i32
    %c0_i32_2 = arith.constant 0 : i32
    return %arg0, %c0_i32, %c0_i32_0, %c0_i32_1 : i32, i32, i32, i32
  }
  func.func @transform_2(%arg0: i32) -> (i32, i32, i32, i32) {
    %c0_i32 = arith.constant 0 : i32
    %c0_i32_0 = arith.constant 0 : i32
    %c0_i32_1 = arith.constant 0 : i32
    %c0_i32_2 = arith.constant 0 : i32
    return %arg0, %c0_i32, %c0_i32_0, %c0_i32_1 : i32, i32, i32, i32
  }
  func.func @transform_3(%arg0: i32) -> (i32, i32) {
    %c0_i32 = arith.constant 0 : i32
    %c0_i32_0 = arith.constant 0 : i32
    return %arg0, %c0_i32 : i32, i32
  }
}

module attributes {stable_mosaic.version = 14 : i64} {
  func.func @_comb_body(%arg0: i32, %arg1: memref<2x5120x128xf32, #tpu.memory_space<vmem>>, %arg2: memref<128x2xf32, #tpu.memory_space<vmem>>, %arg3: memref<1x1xf32, #tpu.memory_space<vmem>>, %arg4: memref<5120x2xf32, #tpu.memory_space<vmem>>) attributes {dimension_semantics = [#tpu.dimension_semantics<arbitrary>], iteration_bounds = array<i64: 1>, scalar_prefetch = 0 : i64, scratch_operands = 0 : i64, tpu.core_type = #tpu.core_type<tc>, window_params = [{pipeline_mode = #tpu.pipeline_mode<synchronous>, transform_indices = @transform_0, window_bounds = array<i64: 2, 5120, 128>}, {pipeline_mode = #tpu.pipeline_mode<synchronous>, transform_indices = @transform_1, window_bounds = array<i64: 128, 2>}, {pipeline_mode = #tpu.pipeline_mode<synchronous>, transform_indices = @transform_2, window_bounds = array<i64: 1, 1>}, {pipeline_mode = #tpu.pipeline_mode<synchronous>, transform_indices = @transform_3, window_bounds = array<i64: 5120, 2>}]} {
    %get3A = arith.constant 0 : index
    %get3A_0 = arith.constant 0 : index
    %get3A_1 = arith.constant 0 : index
    %get3A_2 = vector.load %arg1[%get3A, %get3A_0, %get3A_1] : memref<2x5120x128xf32, #tpu.memory_space<vmem>>, vector<1x5120x128xf32>
    %get3A_3 = vector.shape_cast %get3A_2 : vector<1x5120x128xf32> to vector<5120x128xf32>
    %get3A_4 = arith.constant 1 : index
    %get3A_5 = arith.constant 0 : index
    %get3A_6 = arith.constant 0 : index
    %get3A_7 = vector.load %arg1[%get3A_4, %get3A_5, %get3A_6] : memref<2x5120x128xf32, #tpu.memory_space<vmem>>, vector<1x5120x128xf32>
    %get3A_8 = vector.shape_cast %get3A_7 : vector<1x5120x128xf32> to vector<5120x128xf32>
    %add3A = arith.addf %get3A_3, %get3A_8 : vector<5120x128xf32>
    %max3A = arith.constant 0.000000e+00 : f32
    %max3A_9 = vector.broadcast %max3A : f32 to vector<5120x128xf32>
    %max3A_10 = arith.maximumf %add3A, %max3A_9 : vector<5120x128xf32>
    %get3A_11 = arith.constant 0 : index
    %get3A_12 = arith.constant 0 : index
    %get3A_13 = vector.load %arg2[%get3A_11, %get3A_12] : memref<128x2xf32, #tpu.memory_space<vmem>>, vector<128x2xf32>
    %dot_general3A = arith.constant dense<0.000000e+00> : vector<5120x2xf32>
    %dot_general3A_14 = tpu.matmul %max3A_10, %get3A_13, %dot_general3A {dimension_numbers = #tpu.dot_dimension_numbers<[1], [0], [0], [1], [0, 0, 1, 1], [], []>, transpose_lhs_hint = false} : vector<5120x128xf32>, vector<128x2xf32>, vector<5120x2xf32> -> vector<5120x2xf32>
    %get3A_15 = arith.constant 0 : index
    %get3A_16 = arith.constant 0 : index
    %get3A_17 = vector.load %arg3[%get3A_15, %get3A_16] : memref<1x1xf32, #tpu.memory_space<vmem>>, vector<1x1xf32>
    %get3A_18 = vector.extract %get3A_17[0, 0] : f32 from vector<1x1xf32>
    %add3A_19 = vector.broadcast %get3A_18 : f32 to vector<5120x2xf32>
    %add3A_20 = arith.addf %dot_general3A_14, %add3A_19 : vector<5120x2xf32>
    %swap3A = arith.constant 0 : index
    %swap3A_21 = arith.constant 0 : index
    %swap3A_22 = vector.load %arg4[%swap3A, %swap3A_21] : memref<5120x2xf32, #tpu.memory_space<vmem>>, vector<5120x2xf32>
    tpu.vector_store %arg4[%swap3A, %swap3A_21], %add3A_20 {strides = array<i32>} : memref<5120x2xf32, #tpu.memory_space<vmem>>, vector<5120x2xf32>,
    return
  }
  func.func @transform_0(%arg0: i32) -> (i32, i32, i32) {
    %c0_i32 = arith.constant 0 : i32
    %c0_i32_0 = arith.constant 0 : i32
    %c0_i32_1 = arith.constant 0 : i32
    %c0_i32_2 = arith.constant 0 : i32
    return %c0_i32, %c0_i32_0, %c0_i32_1 : i32, i32, i32
  }
  func.func @transform_1(%arg0: i32) -> (i32, i32) {
    %c0_i32 = arith.constant 0 : i32
    %c0_i32_0 = arith.constant 0 : i32
    %c0_i32_1 = arith.constant 0 : i32
    return %c0_i32, %c0_i32_0 : i32, i32
  }
  func.func @transform_2(%arg0: i32) -> (i32, i32) {
    %c0_i32 = arith.constant 0 : i32
    %c0_i32_0 = arith.constant 0 : i32
    %c0_i32_1 = arith.constant 0 : i32
    return %c0_i32, %c0_i32_0 : i32, i32
  }
  func.func @transform_3(%arg0: i32) -> (i32, i32) {
    %c0_i32 = arith.constant 0 : i32
    %c0_i32_0 = arith.constant 0 : i32
    %c0_i32_1 = arith.constant 0 : i32
    return %c0_i32, %c0_i32_0 : i32, i32
  }
}

</mosaic_0001>

<sc_bundles>
// kernel: kernel.5.cloned.1.call-start
scs
__scs_entry_jumppad:
0x0: {  	(pc) =	sbr.rel $0x88, $3  }
0x1: {  	(tag) =	ssettag $0x0;
	lr =	simm.s32 $0x1  }
0x2: {  	[smem:$0x3F98] =	sst lr;
	_ =	strace $0xD0000000  }
0x3: {  	_ = 	snop  }
0x4: {  	_ = 	snop  }
0x5: {  	_ = 	snop  }
0x6: {  	_ = 	snop  }
0x7: {  	_ = 	snop  }
__scs_overlays_trampoline_lowered:
0x8: {  	[smem:$0x3FA7] =	sst s0  }
0x9: {  	[smem:$0x3FA8] =	sst s1  }
0xa: {  	[smem:$0x3FA9] =	sst s2  }
0xb: {  	[smem:$0x3FAA] =	sst s3  }
0xc: {  	[smem:$0x3FAB] =	sst s4  }
0xd: {  	[smem:$0x3FAC] =	sst s5  }
0xe: {  	[smem:$0x3FAD] =	sst s6  }
0xf: {  	[smem:$0x3FAE] =	sst s7  }
0x10: {  	[smem:$0x3FAF] =	sst s8  }
0x11: {  	[smem:$0x3FB0] =	sst s9;
	s0 =	simm.s32 @!p0 $0x0  }
0x12: {  	s1 =	sld [smem:$0x3F96];
	s0 =	simm.s32 @p0 $0x1  }
0x13: {  	[smem:$0x3FB1] =	sst s0;
	s0 =	simm.s32 @!p1 $0x0  }
0x14: {  	s2 =	sld [smem:$0x3F95];
	s0 =	simm.s32 @p1 $0x1  }
0x15: {  	[smem:$0x3FB2] =	sst s0;
	s0 =	simm.s32 @!p2 $0x0  }
0x16: {  	s3 =	sld [smem:$0x3FDB];
	s0 =	simm.s32 @p2 $0x1  }
0x17: {  	s4 =	simm.s32 $0x1BF5;
	[smem:$0x3FB4] =	sst s0  }
0x18: {  	s0 =	sld [smem:$0x3F97];
	_ =	swait.ge [sflag:s4], $0x0  }
0x19: {  	s7 =	sld [smem:$0x3F98]  }
0x1a: {  	s8 =	sadd.s32 $0xFFFFE003, lr  }
0x1b: {  	s9 =	sadd.s32 $0xFFFFFEF7, lr;
	s5 =	simm.s32 $0xFFFFFFFF;
	p2 =	slt.u32 s8, $0xFFFFF086  }
0x1c: {  	p1 =	slt.u32 s9, $0xF7A;
	s5 =	simm.s32 @!p2 $0x0  }
0x1d: {  	s5 =	simm.s32 @p1 $0x1;
	p0 =	seq.s32 s7, s2  }
0x1e: {  	s7 =	smul.u32 @!p0 $0xF7A, s2;
	p2 =	seq.s32 @!p0 s5, $0x0  }
0x1f: {  	s9 =	smul.u32 $0xF7A, s1;
	s8 =	simm.s32 @!p0 $0x1BF5;
	p2 =	por !p2, p0  }
0x20: {  	[sflag:s8] =	ssyncset.s32 @!p0 $0xFFFFF086;
	s6 =	sadd.s32 @!p0 s3, s7;
	s7 =	simm.s32 @!p0 $0x108  }
0x21: {  	s3 =	sadd.s32 s3, s9;
	s6 =	sadd.s32 @!p0 $0x88, s6;
	s7 =	simm.s32 @p2 $0x1082  }
0x22: {  	[simem:s7], [sflag:s8] =	dma.local @!p0 [hbm:s6], $0xF7A  }
0x23: {  	s9 =	sor.u32 $0xD0000000, s2;
	s6 =	simm.s32 $0x108;
	_ =	swait.ge @!p0 [sflag:s8], $0x0  }
0x24: {  	s3 =	sadd.s32 $0x88, s3;
	s6 =	simm.s32 @!p1 $0x1082;
	[sflag:s4] =	ssyncset.s32 $0xFFFFF086  }
0x25: {  	[simem:s6], [sflag:s4] =	dma.local [hbm:s3], $0xF7A  }
0x26: {  	[smem:$0x3F98] =	sst s1;
	(tag) =	ssettag s2;
	_ =	strace s9  }
0x27: {  	s1 =	sld [smem:$0x3FA8]  }
0x28: {  	s2 =	sld [smem:$0x3FA9]  }
0x29: {  	s4 =	sld [smem:$0x3FAB]  }
0x2a: {  	p0 =	seq.s32 s5, $0x0;
	s5 =	sld [smem:$0x3FAC]  }
0x2b: {  	s6 =	sld [smem:$0x3FAD]  }
0x2c: {  	s7 =	sld [smem:$0x3FAE]  }
0x2d: {  	s3 =	simm.s32 $0x108;
	s8 =	sld [smem:$0x3FAF]  }
0x2e: {  	s3 =	simm.s32 @!p0 $0x1082;
	s9 =	sld [smem:$0x3FB0]  }
0x2f: {  	lr =	sadd.s32 s0, s3;
	s0 =	sld [smem:$0x3FA7]  }
0x30: {  	s3 =	sld [smem:$0x3FAA]  }
0x31: {  	[smem:$0x3FB3] =	sst s10  }
0x32: {  	s10 =	sld [smem:$0x3FB1];
	_ =	sdelay $0x3  }
0x33: {  	p0 =	seq.s32 s10, $0x1;
	s10 =	sld [smem:$0x3FB3];
	_ =	sdelay $0x3  }
0x34: {  	[smem:$0x3FB3] =	sst s10  }
0x35: {  	s10 =	sld [smem:$0x3FB2];
	_ =	sdelay $0x3  }
0x36: {  	p1 =	seq.s32 s10, $0x1;
	s10 =	sld [smem:$0x3FB3];
	_ =	sdelay $0x3  }
0x37: {  	[smem:$0x3FB3] =	sst s10  }
0x38: {  	s10 =	sld [smem:$0x3FB4]  }
0x39: {  	_ = 	snop;
	(pc) =	sbr.ind lr, $3  }
0x3a: {  	_ = 	snop  }
0x3b: {  	_ = 	snop  }
0x3c: {  	p2 =	seq.s32 s10, $0x1;
	s10 =	sld [smem:$0x3FB3]  }
0x3d: {  	_ =	shalt  }
0x3e: {  	_ =	shalt  }
0x3f: {  	_ =	shalt  }
0x40: {  	_ =	shalt  }
0x41: {  	_ =	shalt  }
0x42: {  	_ =	shalt  }
0x43: {  	_ =	shalt  }
0x44: {  	_ =	shalt  }
0x45: {  	_ =	shalt  }
0x46: {  	_ =	shalt  }
0x47: {  	_ =	shalt  }
0x48: {  	_ =	shalt  }
0x49: {  	_ =	shalt  }
0x4a: {  	_ =	shalt  }
0x4b: {  	_ =	shalt  }
0x4c: {  	_ =	shalt  }
0x4d: {  	_ =	shalt  }
0x4e: {  	_ =	shalt  }
0x4f: {  	_ =	shalt  }
0x50: {  	_ =	shalt  }
0x51: {  	_ =	shalt  }
0x52: {  	_ =	shalt  }
0x53: {  	_ =	shalt  }
0x54: {  	_ =	shalt  }
0x55: {  	_ =	shalt  }
0x56: {  	_ =	shalt  }
0x57: {  	_ =	shalt  }
0x58: {  	_ =	shalt  }
0x59: {  	_ =	shalt  }
0x5a: {  	_ =	shalt  }
0x5b: {  	_ =	shalt  }
0x5c: {  	_ =	shalt  }
0x5d: {  	_ =	shalt  }
0x5e: {  	_ =	shalt  }
0x5f: {  	_ =	shalt  }
0x60: {  	_ =	shalt  }
0x61: {  	_ =	shalt  }
0x62: {  	_ =	shalt  }
0x63: {  	_ =	shalt  }
0x64: {  	_ =	shalt  }
0x65: {  	_ =	shalt  }
0x66: {  	_ =	shalt  }
0x67: {  	_ =	shalt  }
0x68: {  	_ =	shalt  }
0x69: {  	_ =	shalt  }
0x6a: {  	_ =	shalt  }
0x6b: {  	_ =	shalt  }
0x6c: {  	_ =	shalt  }
0x6d: {  	_ =	shalt  }
0x6e: {  	_ =	shalt  }
0x6f: {  	_ =	shalt  }
0x70: {  	_ =	shalt  }
0x71: {  	_ =	shalt  }
0x72: {  	_ =	shalt  }
0x73: {  	_ =	shalt  }
0x74: {  	_ =	shalt  }
0x75: {  	_ =	shalt  }
0x76: {  	_ =	shalt  }
0x77: {  	_ =	shalt  }
0x78: {  	_ =	shalt  }
0x79: {  	_ =	shalt  }
0x7a: {  	_ =	shalt  }
0x7b: {  	_ =	shalt  }
0x7c: {  	_ =	shalt  }
0x7d: {  	_ =	shalt  }
0x7e: {  	_ =	shalt  }
0x7f: {  	_ =	shalt  }
0x80: {  	_ =	shalt  }
0x81: {  	_ =	shalt  }
0x82: {  	_ =	shalt  }
0x83: {  	_ =	shalt  }
0x84: {  	_ =	shalt  }
0x85: {  	_ =	shalt  }
0x86: {  	_ =	shalt  }
0x87: {  	_ =	shalt  }
.Lfunc_end0:
.L_simem_size_0:
called_computation_lowered:
.L_overlay_start_0:
0x88: {  	s2 =	sld [smem:$0x3FD9]  }
0x89: {  	s3 =	sld [smem:$0x3FFE];
	_ =	sdelay $0x1  }
0x8a: {  	s1 =	srdreg.scid  }
0x8b: {  	s0 =	sand.u32 $0x1, s1  }
0x8c: {  	s16 =	sshll.u32 s0, $0xA;
	s2 =	sadd.s32 s3, s2  }
0x8d: {  	s2 =	sadd.s32 s2, s16  }
0x8e: {  	[smem:$0x3FBF] =	sst s2  }
0x8f: {  	_ = 	snop  }
0x90: {  	(tm) =	ssettm $0x1  }
0x91: {  	s17 =	sld [smem:$0x3FFB];
	_ =	sdelay $0x3  }
0x92: {  	_ =	strace s17  }
0x93: {  	s2 =	sld [smem:$0x3FFC];
	_ =	sdelay $0x3  }
0x94: {  	_ =	strace s2  }
0x95: {  	s2 =	sld [smem:$0x3FFD];
	_ =	sdelay $0x3  }
0x96: {  	_ =	strace s2  }
0x97: {  	_ =	strace $0x8FFFFFFF  }
0x98: {  	s18 =	sld [smem:$0x3FDB];
	_ =	sdelay $0x1  }
0x99: {  	s19 =	simm.s32 $_scs_section_size  }
0x9a: {  	s4 =	simm.s32 $_size__tile_overlayer_lowered;
	s5 =	simm.s32 $_tile_overlayer_lowered  }
0x9b: {  	s22 =	simm.s32 $0x1BFF;
	s21 =	sshll.u32 s5, $0x1;
	s2 =	sadd.s32 s19, s18  }
0x9c: {  	s6 =	simm.s32 $0x0;
	s20 =	sshll.u32 s4, $0x1;
	s4 =	sadd.s32 s21, s2  }
0x9d: {  	[timem:s6], [sflag:s22] =	dma.local [hbm:s4], s20  }
0x9e: {  	_ =	swait.ge [sflag:s22], s20  }
0x9f: {  	s3 =	ssub.s32 $0x0, s20;
	[sflag:s22] =	ssyncset.done $0x0  }
0xa0: {  	[sflag:s22] =	ssyncadd.s32 s3;
	_ =	sdelay $0x1  }
0xa1: {  	s23 =	simm.s32 $0x1B8B  }
0xa2: {  	_ =	swait.ge [sflag:s23], $0x1  }
0xa3: {  	[sflag:s23] =	ssyncset.done $0x0  }
0xa4: {  	s25 =	simm.s32 $0x1B8E;
	s24 =	sld [smem:$0x3FFE];
	[sflag:s23] =	ssyncadd.s32 $0xFFFFFFFF  }
0xa5: {  	s26 =	simm.s32 $execute0_lowered;
	[smem:$0x3FD2] =	sst s25  }
0xa6: {  	s4 =	sshll.u32 s26, $0x1;
	_ =	strace $0x80000046;
	[dreg:$0x1] =	wrdreg $0xFFFFFFFF  }
0xa7: {  	s28 =	simm.s32 $_size_execute0_lowered;
	s2 =	sadd.s32 s2, s4;
	[dreg:$0x0] =	wrdreg $0x0  }
0xa8: {  	s4 =	sshll.u32 s28, $0x1;
	[dreg:$0x2] =	wrdreg s2  }
0xa9: {  	[dreg:$0x3] =	wrdreg s4  }
0xaa: {  	[dreg:$0x4] =	wrdreg $0xC0  }
0xab: {  	_ =	task [dreg:s6], $0x5FFFF  }
0xac: {  	[dreg:$0x1] =	wrdreg $0xFFFFFFFF  }
0xad: {  	[dreg:$0x0] =	wrdreg $0x60  }
0xae: {  	[dreg:$0x2] =	wrdreg s24  }
0xaf: {  	[dreg:$0x3] =	wrdreg $0xF1400  }
0xb0: {  	[dreg:$0x4] =	wrdreg $0x9  }
0xb1: {  	_ =	task.clear_ibuf [dreg:s6], $0x5FFFF;
	_ =	strace $0x90000046  }
0xb2: {  	s29 =	simm.s32 $0x9;
	_ =	strace $0x80000048  }
0xb3: {  	_ =	swait.ge [sflag:s29], $0x1  }
0xb4: {  	[sflag:s29] =	ssyncadd.s32 $0xFFFFFFFF  }
0xb5: {  	_ =	strace $0x90000048  }
0xb6: {  	_ =	sfence  }
0xb7: {  	s30 =	sld [smem:$0x0];
	_ =	sdelay $0x2  }
0xb8: {  	s31 =	sshll.u32 s1, $0xD;
	s1 =	sshrl.u32 s1, $0x2  }
0xb9: {  	s3 =	sand.u32 $0x4000, s31;
	s1 =	sadd.s32 s1, s30  }
0xba: {  	s0 =	sor.u32 s3, s0;
	s1 =	sshll.u32 s1, $0x11  }
0xbb: {  	s0 =	sor.u32 s1, s0  }
0xbc: {  	s0 =	sadd.s32 $0x8F2B, s0  }
0xbd: {  	[sflag:s0] =	ssyncadd.remote.s32 $0x1  }
0xbe: {  	_ =	sfence.sel $0xFFFF  }
0xbf: {  	[dreg:$0x0] =	wrdreg $0xFFFFFFFF;
	(pc) =	sbr.abs _section_cstart, $3  }
0xc0: {  	[dreg:$0x1] =	wrdreg $0xFFFFFFFF  }
0xc1: {  	_ =	task.clear_ibuf [dreg:s6], $0x2FFFF;
	_ =	strace $0x9FFFFFFF  }
0xc2: {  	(tm) =	ssettm $0x7FFFFFFF  }
0xc3: {  	_ =	shalt  }
tec
execute0_lowered:
.L_overlay_start_1:
0x0: {  	(tag) =	ssettag $0x1  }
0x1: {  	s0 =	srdreg.scid  }
0x2: {  	s15 =	stileid.u32;
	s5 =	rddreg [dreg:$0x0]  }
0x3: {  	s2 =	rddreg [dreg:$0x1];
	s3 =	simm.s32 $0x0;
	s12 =	simm.s32 $0x5  }
0x4: {  	s13 =	simm.s32 $0x2850;
	s14 =	simm.s32 $0x78F0;
	s17 =	simm.s32 $0x50  }
0x5: {  	s18 =	simm.s32 $0xA140;
	s19 =	simm.s32 $0xB540;
	s20 =	simm.s32 $0xA0  }
0x6: {  	s21 =	simm.s32 $0xC940;
	s22 =	simm.s32 $0xF0;
	s23 =	simm.s32 $0xDD40  }
0x7: {  	s24 =	simm.s32 $0x1;
	s25 =	simm.s32 $0x2;
	s28 =	simm.s32 $0x4  }
0x8: {  	s29 =	simm.s32 $0x5050;
	s30 =	simm.s32 $0x0;
	s0 =	sand.u32 $0x1, s0  }
0x9: {  	s8 =	smul.u32 $0xA000, s15;
	[smem:$0x7FF] =	sst s3;
	s4 =	sadd.s32 $0x1FA00, s5  }
0xa: {  	s31 =	sshll.u32 s15, $0x6;
	s1 =	sshll.u32 s0, $0x4;
	s6 =	smul.u32 $0xA0000, s0  }
0xb: {  	_ =	strace $0x80000047;
	s0 =	ssub.s32 $0x2, s0;
	s1 =	sor.u32 s15, s1  }
0xc: {  	s7 =	sshrl.u32 s8, $0x3;
	s9 =	sshrl.u32 s0, $0x1;
	s26 =	sadd.s32 s8, s2  }
0xd: {  	s15 =	sor.u32 $0x1C05, s31;
	s1 =	smul.u32 $0x2850, s1;
	s6 =	sadd.s32 s8, s6  }
0xe: {  	s10 =	sadd.s32 s7, s5;
	s0 =	ssub.s32 s0, s9;
	s16 =	sshrl.u32 s26, $0x3  }
0xf: {  	s26 =	simm.s32 $0x3;
	s6 =	sshrl.u32 s6, $0x3;
	s8 =	sadd.s32 $0xE3000, s10  }
0x10: {  	s10 =	smax.u32 s0, $0x1;
	s1 =	sshrl.u32 s1, $0x3;
	s11 =	sadd.s32 s6, s5  }
0x11: {  	s1 =	sadd.s32 s1, s5;
	s9 =	sadd.s32 $0xF7000, s11;
	s11 =	simm.s32 $0x50A0  }
0x12: {  	s5 =	sadd.s32 $0x1600, s1;
	s6 =	sadd.s32 $0xB740, s1;
	s7 =	sadd.s32 $0x15880, s1  }
.LBB2_1:
0x13: {  	[tilespmem:s11], [sflag:$0x5] =	stream.linear.gather [hbm4b:s5+s3], $0x2850, $0x38;
	[tilespmem:$0x19140] =	vst v63  }
0x14: {  	_ =	swait.ge [sflag:s12], $0x2850  }
0x15: {  	[sflag:s12] =	ssyncset.done $0x0  }
0x16: {  	[sflag:s12] =	ssyncadd.s32 $0xFFFFD7B0  }
0x17: {  	[tilespmem:s13], [sflag:$0x5] =	stream.linear.gather [hbm4b:s6+s3], $0x2850, $0x38;
	[tilespmem:$0x19140] =	vst v63  }
0x18: {  	_ =	swait.ge [sflag:s12], $0x2850  }
0x19: {  	[sflag:s12] =	ssyncset.done $0x0  }
0x1a: {  	[sflag:s12] =	ssyncadd.s32 $0xFFFFD7B0  }
0x1b: {  	[tilespmem:s14], [sflag:$0x5] =	stream.linear.gather [hbm4b:s7+s3], $0x2850, $0x38;
	[tilespmem:$0x19140] =	vst v63  }
0x1c: {  	_ =	swait.ge [sflag:s12], $0x2850  }
0x1d: {  	[sflag:s12] =	ssyncset.done $0x0  }
0x1e: {  	[sflag:s12] =	ssyncadd.s32 $0xFFFFD7B0  }
0x1f: {  	[spmem:s16], [sflag:s15] =	dma.local [hbm:s8], $0x1400  }
0x20: {  	_ =	swait.ge [sflag:s12], $0x1400  }
0x21: {  	[sflag:s12] =	ssyncset.done $0x0  }
0x22: {  	s1 =	simm.s32 $0x0;
	[sflag:s12] =	ssyncadd.s32 $0xFFFFEC00  }
0x23: {  	v4 =	vld [tilespmem:s1+$0x7930]  }
0x24: {  	v2 =	vld [tilespmem:s1+$0x78F0]  }
0x25: {  	v6 =	vld [tilespmem:s1+$0x7900]  }
0x26: {  	v9 =	vld [tilespmem:s1+$0x50E0];
	_ =	sdelay $0x1  }
0x27: {  	v1 =	vld [tilespmem:s1+$0x7910]  }
0x28: {  	v0 =	vld [tilespmem:s1+$0x7920];
	v7 =	vshrl.u32 v4, $0x1  }
0x29: {  	v3 =	vld [tilespmem:s1+$0x50A0];
	v8 =	vshrl.u32 v2, $0x1;
	v5 =	vand.u32 $0x1, v2;
	v10 =	vmul.u32 $0x4E20, v7  }
0x2a: {  	v2 =	vld [tilespmem:s1+$0x50B0];
	v11 =	vand.u32 $0x1, v4;
	v12 =	vshll.u32 v9, $0x1;
	v9 =	vand.u32 $0x1, v6  }
0x2b: {  	v4 =	vld [tilespmem:s1+$0x50C0];
	v7 =	vmul.u32 $0x4E20, v8;
	v8 =	vshrl.u32 v6, $0x1;
	v11 =	vor.u32 v11, v10  }
0x2c: {  	s31 =	simm.s32 $0x50;
	s0 =	simm.s32 $0x280;
	v6 =	vld [tilespmem:s1+$0x50D0];
	v8 =	vmul.u32 $0x4E20, v8;
	v10 =	vshrl.u32 v1, $0x1;
	v11 =	vadd.s32 v12, v11  }
.LBB2_2:
0x2d: {  	p0 =	sne.s32 s0, $0xA000;
	v12 =	vld [tilespmem:s31+$0x7930];
	v10 =	vmul.u32 $0x4E20, v10;
	v1 =	vand.u32 $0x1, v1;
	v13 =	vshrl.u32 v0, $0x1;
	[tilespmem:s1+$0x40] =	vst v11  }
0x2e: {  	v5 =	vor.u32 v5, v7;
	v0 =	vand.u32 $0x1, v0;
	v11 =	vld [tilespmem:s31+$0x78F0];
	v7 =	vmul.u32 $0x4E20, v13  }
0x2f: {  	v8 =	vor.u32 v9, v8;
	v3 =	vshll.u32 v3, $0x1;
	v13 =	vld [tilespmem:s31+$0x7900];
	v9 =	vor.u32 v1, v10  }
0x30: {  	v2 =	vshll.u32 v2, $0x1;
	v10 =	vld [tilespmem:s31+$0x50E0];
	v4 =	vshll.u32 v4, $0x1;
	v7 =	vor.u32 v0, v7  }
0x31: {  	v3 =	vadd.s32 v3, v5;
	v2 =	vadd.s32 v2, v8;
	v1 =	vld [tilespmem:s31+$0x7910];
	v5 =	vshll.u32 v6, $0x1  }
.Ltmp0:
0x32: {  	v4 =	vadd.s32 v4, v9;
	v0 =	vld [tilespmem:s31+$0x7920];
	v6 =	vshrl.u32 v12, $0x1;
	[tilespmem:s1+$0x0] =	vst v3;
	v9 =	vadd.s32 v5, v7;
	(pc) =	sbr.rel @p0 .LBB2_2-.Ltmp0, $4  }
0x33: {  	v7 =	vshrl.u32 v11, $0x1;
	v5 =	vand.u32 $0x1, v11;
	v3 =	vld [tilespmem:s31+$0x50A0];
	v6 =	vmul.u32 $0x4E20, v6;
	[tilespmem:s1+$0x10] =	vst v2  }
0x34: {  	v11 =	vand.u32 $0x1, v12;
	v7 =	vmul.u32 $0x4E20, v7;
	v8 =	vshrl.u32 v13, $0x1;
	v2 =	vld [tilespmem:s31+$0x50B0];
	[tilespmem:s1+$0x20] =	vst v4  }
0x35: {  	v8 =	vmul.u32 $0x4E20, v8;
	v4 =	vld [tilespmem:s31+$0x50C0];
	v11 =	vor.u32 v11, v6;
	v12 =	vshll.u32 v10, $0x1;
	[tilespmem:s1+$0x30] =	vst v9;
	s1 =	smov.u32 s31  }
0x36: {  	s31 =	sshra.s32 s0, $0x2;
	s0 =	sadd.s32 $0x140, s0;
	v9 =	vand.u32 $0x1, v13;
	v10 =	vshrl.u32 v1, $0x1;
	v6 =	vld [tilespmem:s1+$0x50D0];
	v11 =	vadd.s32 v12, v11  }
0x37: {  	v12 =	vld [tilespmem:s31+$0x7930];
	[tilespmem:s1+$0x40] =	vst v11  }
0x38: {  	v10 =	vmul.u32 $0x4E20, v10;
	v11 =	vld [tilespmem:s31+$0x78F0]  }
0x39: {  	v1 =	vand.u32 $0x1, v1;
	v5 =	vor.u32 v5, v7;
	v8 =	vor.u32 v9, v8;
	v13 =	vld [tilespmem:s31+$0x7900]  }
0x3a: {  	v38 =	vshrl.u32 v0, $0x1;
	v41 =	vand.u32 $0x1, v0;
	v14 =	vld [tilespmem:s31+$0x50E0];
	v3 =	vshll.u32 v3, $0x1  }
0x3b: {  	v37 =	vld [tilespmem:s31+$0x7910];
	v40 =	vmul.u32 $0x4E20, v38;
	v3 =	vadd.s32 v3, v5;
	v2 =	vshll.u32 v2, $0x1  }
0x3c: {  	v39 =	vld [tilespmem:s31+$0x7920];
	v1 =	vor.u32 v1, v10;
	v4 =	vshll.u32 v4, $0x1;
	v2 =	vadd.s32 v2, v8  }
0x3d: {  	v0 =	vor.u32 v41, v40;
	v43 =	vshll.u32 v6, $0x1;
	v1 =	vadd.s32 v4, v1  }
0x3e: {  	[tilespmem:s1+$0x0] =	vst v3;
	v44 =	vshrl.u32 v12, $0x1;
	v0 =	vadd.s32 v43, v0;
	v50 =	vand.u32 $0x1, v12  }
0x3f: {  	v42 =	vld [tilespmem:s31+$0x50A0];
	[tilespmem:s1+$0x10] =	vst v2;
	v45 =	vshrl.u32 v11, $0x1;
	v47 =	vand.u32 $0x1, v11;
	v6 =	vmul.u32 $0x4E20, v44  }
0x40: {  	v46 =	vld [tilespmem:s31+$0x50B0];
	[tilespmem:s1+$0x20] =	vst v1;
	v48 =	vshrl.u32 v13, $0x1;
	v52 =	vshll.u32 v14, $0x1;
	v53 =	vshrl.u32 v37, $0x1  }
0x41: {  	v51 =	vld [tilespmem:s31+$0x50C0];
	[tilespmem:s1+$0x30] =	vst v0;
	v54 =	vand.u32 $0x1, v13;
	v56 =	vand.u32 $0x1, v37;
	v57 =	vshrl.u32 v39, $0x1  }
0x42: {  	v5 =	vand.u32 $0x1, v39;
	v49 =	vmul.u32 $0x4E20, v45;
	v9 =	vmul.u32 $0x4E20, v48;
	v55 =	vld [tilespmem:s31+$0x50D0]  }
0x43: {  	v0 =	vmul.u32 $0x4E20, v53;
	v58 =	vmul.u32 $0x4E20, v57;
	v2 =	vor.u32 v50, v6  }
0x44: {  	v2 =	vadd.s32 v52, v2;
	v1 =	vor.u32 v47, v49;
	v59 =	vshll.u32 v42, $0x1  }
0x45: {  	v60 =	vor.u32 v54, v9;
	[tilespmem:s31+$0x40] =	vst v2;
	v3 =	vshll.u32 v46, $0x1;
	v1 =	vadd.s32 v59, v1  }
0x46: {  	v0 =	vor.u32 v56, v0;
	v61 =	vshll.u32 v51, $0x1;
	v2 =	vadd.s32 v3, v60;
	[tilespmem:s31+$0x0] =	vst v1  }
0x47: {  	v62 =	vor.u32 v5, v58;
	v63 =	vshll.u32 v55, $0x1;
	v0 =	vadd.s32 v61, v0;
	[tilespmem:s31+$0x10] =	vst v2  }
0x48: {  	v1 =	vadd.s32 v63, v62;
	[tilespmem:s31+$0x20] =	vst v0  }
0x49: {  	[tilespmem:s31+$0x30] =	vst v1  }
0x4a: {  	s0 =	simm.s32 $0x0;
	[bflag:$0x0] =	sbarrier.arrive $0xFFFF  }
0x4b: {  	[tilespmem:s18], [sflag:$0x1] =	stream.indirect.gather [hbm4b:s4+s17], $0x40, s0, s17, $0xb8;
	[tilespmem:$0x19140] =	vst v63  }
0x4c: {  	_ = 	snop  }
0x4d: {  	[tilespmem:s19], [sflag:$0x2] =	stream.indirect.gather [hbm4b:s4+s17], $0x40, s17, s17, $0xb8;
	[tilespmem:$0x19140] =	vst v63  }
0x4e: {  	_ = 	snop  }
0x4f: {  	[tilespmem:s21], [sflag:$0x3] =	stream.indirect.gather [hbm4b:s4+s17], $0x40, s20, s17, $0xb8;
	[tilespmem:$0x19140] =	vst v63  }
0x50: {  	_ = 	snop  }
0x51: {  	[tilespmem:s23], [sflag:$0x4] =	stream.indirect.gather [hbm4b:s4+s17], $0x40, s22, s17, $0xb8;
	[tilespmem:$0x19140] =	vst v63  }
0x52: {  	_ =	swait.ge [sflag:s24], $0x1400  }
0x53: {  	[sflag:s24] =	ssyncset.done $0x0  }
0x54: {  	s31 =	simm.s32 $0x2850;
	[sflag:s24] =	ssyncadd.s32 $0xFFFFEC00  }
0x55: {  	[spmem:s2] =	stream.indirect.scatter.add.f32 [tilespmem:s18], [sflag:$0x5], $0x40, s31, s17, $0xb8;
	[tilespmem:$0x19140] =	vst v63  }
0x56: {  	_ =	swait.ge [sflag:s12], $0x1400  }
0x57: {  	[sflag:s12] =	ssyncset.done $0x0  }
0x58: {  	s1 =	simm.s32 $0x140;
	[sflag:s12] =	ssyncadd.s32 $0xFFFFEC00  }
0x59: {  	[tilespmem:s18], [sflag:$0x1] =	stream.indirect.gather [hbm4b:s4+s17], $0x40, s1, s17, $0xb8;
	[tilespmem:$0x19140] =	vst v63  }
0x5a: {  	_ =	swait.ge [sflag:s25], $0x1400  }
0x5b: {  	[sflag:s25] =	ssyncset.done $0x0  }
0x5c: {  	s31 =	simm.s32 $0x28A0;
	[sflag:s25] =	ssyncadd.s32 $0xFFFFEC00  }
0x5d: {  	[spmem:s2] =	stream.indirect.scatter.add.f32 [tilespmem:s19], [sflag:$0x5], $0x40, s31, s17, $0xb8;
	[tilespmem:$0x19140] =	vst v63  }
0x5e: {  	_ =	swait.ge [sflag:s12], $0x1400  }
0x5f: {  	[sflag:s12] =	ssyncset.done $0x0  }
0x60: {  	s1 =	simm.s32 $0x190;
	[sflag:s12] =	ssyncadd.s32 $0xFFFFEC00  }
0x61: {  	[tilespmem:s19], [sflag:$0x2] =	stream.indirect.gather [hbm4b:s4+s17], $0x40, s1, s17, $0xb8;
	[tilespmem:$0x19140] =	vst v63  }
0x62: {  	_ =	swait.ge [sflag:s26], $0x1400  }
0x63: {  	[sflag:s26] =	ssyncset.done $0x0  }
0x64: {  	s31 =	simm.s32 $0x28F0;
	[sflag:s26] =	ssyncadd.s32 $0xFFFFEC00  }
0x65: {  	[spmem:s2] =	stream.indirect.scatter.add.f32 [tilespmem:s21], [sflag:$0x5], $0x40, s31, s17, $0xb8;
	[tilespmem:$0x19140] =	vst v63  }
0x66: {  	_ =	swait.ge [sflag:s12], $0x1400  }
0x67: {  	[sflag:s12] =	ssyncset.done $0x0  }
0x68: {  	s1 =	simm.s32 $0x1E0;
	[sflag:s12] =	ssyncadd.s32 $0xFFFFEC00  }
0x69: {  	[tilespmem:s21], [sflag:$0x3] =	stream.indirect.gather [hbm4b:s4+s17], $0x40, s1, s17, $0xb8;
	[tilespmem:$0x19140] =	vst v63  }
0x6a: {  	_ =	swait.ge [sflag:s28], $0x1400  }
0x6b: {  	[sflag:s28] =	ssyncset.done $0x0  }
0x6c: {  	s31 =	simm.s32 $0x2940;
	[sflag:s28] =	ssyncadd.s32 $0xFFFFEC00  }
0x6d: {  	[spmem:s2] =	stream.indirect.scatter.add.f32 [tilespmem:s23], [sflag:$0x5], $0x40, s31, s17, $0xb8;
	[tilespmem:$0x19140] =	vst v63  }
0x6e: {  	_ =	swait.ge [sflag:s12], $0x1400  }
0x6f: {  	[sflag:s12] =	ssyncset.done $0x0  }
0x70: {  	s0 =	simm.s32 $0x230;
	s1 =	simm.s32 $0x500;
	[sflag:s12] =	ssyncadd.s32 $0xFFFFEC00  }
.LBB2_4:
0x71: {  	[tilespmem:s23], [sflag:$0x4] =	stream.indirect.gather [hbm4b:s4+s17], $0x40, s0, s17, $0xb8;
	[tilespmem:$0x19140] =	vst v63  }
0x72: {  	s0 =	smov.u32 s1;
	s1 =	sadd.s32 $0x500, s1;
	_ =	swait.ge [sflag:s24], $0x1400  }
0x73: {  	s31 =	sshra.s32 s0, $0x2;
	p0 =	sne.s32 s1, $0x9B00;
	[sflag:s24] =	ssyncset.done $0x0  }
0x74: {  	s0 =	sadd.s32 $0x2850, s31;
	[sflag:s24] =	ssyncadd.s32 $0xFFFFEC00  }
0x75: {  	[spmem:s2] =	stream.indirect.scatter.add.f32 [tilespmem:s18], [sflag:$0x5], $0x40, s0, s17, $0xb8;
	[tilespmem:$0x19140] =	vst v63  }
0x76: {  	_ =	swait.ge [sflag:s12], $0x1400  }
0x77: {  	[sflag:s12] =	ssyncset.done $0x0  }
0x78: {  	s0 =	sadd.s32 $0x140, s31;
	[sflag:s12] =	ssyncadd.s32 $0xFFFFEC00  }
0x79: {  	[tilespmem:s18], [sflag:$0x1] =	stream.indirect.gather [hbm4b:s4+s17], $0x40, s0, s17, $0xb8;
	[tilespmem:$0x19140] =	vst v63  }
0x7a: {  	_ =	swait.ge [sflag:s25], $0x1400  }
0x7b: {  	[sflag:s25] =	ssyncset.done $0x0  }
0x7c: {  	s0 =	sadd.s32 $0x28A0, s31;
	[sflag:s25] =	ssyncadd.s32 $0xFFFFEC00  }
0x7d: {  	[spmem:s2] =	stream.indirect.scatter.add.f32 [tilespmem:s19], [sflag:$0x5], $0x40, s0, s17, $0xb8;
	[tilespmem:$0x19140] =	vst v63  }
0x7e: {  	_ =	swait.ge [sflag:s12], $0x1400  }
0x7f: {  	[sflag:s12] =	ssyncset.done $0x0  }
0x80: {  	s0 =	sadd.s32 $0x190, s31;
	[sflag:s12] =	ssyncadd.s32 $0xFFFFEC00  }
0x81: {  	[tilespmem:s19], [sflag:$0x2] =	stream.indirect.gather [hbm4b:s4+s17], $0x40, s0, s17, $0xb8;
	[tilespmem:$0x19140] =	vst v63  }
0x82: {  	_ =	swait.ge [sflag:s26], $0x1400  }
0x83: {  	[sflag:s26] =	ssyncset.done $0x0  }
0x84: {  	s0 =	sadd.s32 $0x28F0, s31;
	[sflag:s26] =	ssyncadd.s32 $0xFFFFEC00  }
0x85: {  	[spmem:s2] =	stream.indirect.scatter.add.f32 [tilespmem:s21], [sflag:$0x5], $0x40, s0, s17, $0xb8;
	[tilespmem:$0x19140] =	vst v63  }
0x86: {  	_ =	swait.ge [sflag:s12], $0x1400  }
0x87: {  	[sflag:s12] =	ssyncset.done $0x0  }
0x88: {  	s0 =	sadd.s32 $0x1E0, s31;
	[sflag:s12] =	ssyncadd.s32 $0xFFFFEC00  }
0x89: {  	[tilespmem:s21], [sflag:$0x3] =	stream.indirect.gather [hbm4b:s4+s17], $0x40, s0, s17, $0xb8;
	[tilespmem:$0x19140] =	vst v63  }
0x8a: {  	_ =	swait.ge [sflag:s28], $0x1400  }
0x8b: {  	[sflag:s28] =	ssyncset.done $0x0  }
.Ltmp1:
0x8c: {  	s0 =	sadd.s32 $0x2940, s31;
	[sflag:s28] =	ssyncadd.s32 $0xFFFFEC00;
	(pc) =	sbr.rel @p0 .LBB2_4-.Ltmp1, $4  }
0x8d: {  	[spmem:s2] =	stream.indirect.scatter.add.f32 [tilespmem:s23], [sflag:$0x5], $0x40, s0, s17, $0xb8;
	[tilespmem:$0x19140] =	vst v63  }
0x8e: {  	_ =	swait.ge [sflag:s12], $0x1400  }
0x8f: {  	[sflag:s12] =	ssyncset.done $0x0  }
0x90: {  	s0 =	sadd.s32 $0x230, s31;
	[sflag:s12] =	ssyncadd.s32 $0xFFFFEC00  }
0x91: {  	[tilespmem:s23], [sflag:$0x4] =	stream.indirect.gather [hbm4b:s4+s17], $0x40, s0, s17, $0xb8;
	[tilespmem:$0x19140] =	vst v63  }
0x92: {  	_ =	swait.ge [sflag:s24], $0x1400  }
0x93: {  	s0 =	sshra.s32 s1, $0x2;
	[sflag:s24] =	ssyncset.done $0x0  }
0x94: {  	s1 =	sadd.s32 $0x2850, s0;
	[sflag:s24] =	ssyncadd.s32 $0xFFFFEC00  }
0x95: {  	[spmem:s2] =	stream.indirect.scatter.add.f32 [tilespmem:s18], [sflag:$0x5], $0x40, s1, s17, $0xb8;
	[tilespmem:$0x19140] =	vst v63  }
0x96: {  	_ =	swait.ge [sflag:s12], $0x1400  }
0x97: {  	[sflag:s12] =	ssyncset.done $0x0  }
0x98: {  	s31 =	sadd.s32 $0x140, s0;
	[sflag:s12] =	ssyncadd.s32 $0xFFFFEC00  }
0x99: {  	[tilespmem:s18], [sflag:$0x1] =	stream.indirect.gather [hbm4b:s4+s17], $0x40, s31, s17, $0xb8;
	[tilespmem:$0x19140] =	vst v63  }
0x9a: {  	_ =	swait.ge [sflag:s25], $0x1400  }
0x9b: {  	[sflag:s25] =	ssyncset.done $0x0  }
0x9c: {  	s31 =	sadd.s32 $0x28A0, s0;
	[sflag:s25] =	ssyncadd.s32 $0xFFFFEC00  }
0x9d: {  	[spmem:s2] =	stream.indirect.scatter.add.f32 [tilespmem:s19], [sflag:$0x5], $0x40, s31, s17, $0xb8;
	[tilespmem:$0x19140] =	vst v63  }
0x9e: {  	_ =	swait.ge [sflag:s12], $0x1400  }
0x9f: {  	[sflag:s12] =	ssyncset.done $0x0  }
0xa0: {  	[sflag:s12] =	ssyncadd.s32 $0xFFFFEC00  }
0xa1: {  	_ =	swait.ge [sflag:s26], $0x1400  }
0xa2: {  	[sflag:s26] =	ssyncset.done $0x0  }
0xa3: {  	s31 =	sadd.s32 $0x28F0, s0;
	[sflag:s26] =	ssyncadd.s32 $0xFFFFEC00  }
0xa4: {  	[spmem:s2] =	stream.indirect.scatter.add.f32 [tilespmem:s21], [sflag:$0x5], $0x40, s31, s17, $0xb8;
	[tilespmem:$0x19140] =	vst v63  }
0xa5: {  	_ =	swait.ge [sflag:s12], $0x1400  }
0xa6: {  	[sflag:s12] =	ssyncset.done $0x0  }
0xa7: {  	[sflag:s12] =	ssyncadd.s32 $0xFFFFEC00  }
0xa8: {  	_ =	swait.ge [sflag:s28], $0x1400  }
0xa9: {  	[sflag:s28] =	ssyncset.done $0x0  }
0xaa: {  	s0 =	sadd.s32 $0x2940, s0;
	[sflag:s28] =	ssyncadd.s32 $0xFFFFEC00  }
0xab: {  	[spmem:s2] =	stream.indirect.scatter.add.f32 [tilespmem:s23], [sflag:$0x5], $0x40, s0, s17, $0xb8;
	[tilespmem:$0x19140] =	vst v63  }
0xac: {  	_ =	swait.ge [sflag:s12], $0x1400  }
0xad: {  	[sflag:s12] =	ssyncset.done $0x0  }
0xae: {  	[sflag:s12] =	ssyncadd.s32 $0xFFFFEC00  }
0xaf: {  	_ =	swait.ge [sflag:s24], $0x1400  }
0xb0: {  	[sflag:s24] =	ssyncset.done $0x0  }
0xb1: {  	[sflag:s24] =	ssyncadd.s32 $0xFFFFEC00  }
0xb2: {  	[spmem:s2] =	stream.indirect.scatter.add.f32 [tilespmem:s18], [sflag:$0x5], $0x40, s29, s17, $0xb8;
	[tilespmem:$0x19140] =	vst v63  }
0xb3: {  	_ =	swait.ge [sflag:s12], $0x1400  }
0xb4: {  	s30 =	sadd.s32 $0x1, s30;
	[sflag:s12] =	ssyncset.done $0x0  }
0xb5: {  	p0 =	sne.s32 s30, s10;
	[sflag:s12] =	ssyncadd.s32 $0xFFFFEC00  }
.Ltmp2:
0xb6: {  	[bflag:$0x0] =	sbarrier.arrive $0xFFFF;
	(pc) =	sbr.rel @p0 .LBB2_1-.Ltmp2, $4  }
0xb7: {  	[hbm:s9], [sflag:s15] =	dma.local [spmem:s16], $0x1400  }
0xb8: {  	_ =	swait.ge [sflag:s12], $0x1400  }
0xb9: {  	[sflag:s12] =	ssyncset.done $0x0  }
0xba: {  	[sflag:s12] =	ssyncadd.s32 $0xFFFFEC00  }
0xbb: {  	_ =	sfence.sel $0x180000  }
0xbc: {  	[bflag:$0x0] =	sbarrier.arrive $0xFFFF  }
0xbd: {  	_ =	strace $0x90000047  }
0xbe: {  	s0 =	stileid.u32;
	[bflag:$0x2] =	sbarrier.arrive $0xFFFF  }
0xbf: {  	p0 =	sne.s32 s0, $0x0;
	s0 =	rddreg [dreg:$0x2]  }
0xc0: {  	s0 =	sadd.s32 @!p0 $0x100000, s0  }
0xc1: {  	[sflag:s0] =	ssyncadd.tile.s32 @!p0 $0x1;
	_ =	shalt  }
.Lfunc_end2:
_tile_overlayer_lowered:
.L_overlay_start_2:
0xc2: {  	(tag) =	ssettag $0x2  }
0xc3: {  	s0 =	rddreg [dreg:$0x0];
	s2 =	stileid.u32  }
0xc4: {  	s1 =	rddreg [dreg:$0x1];
	p0 =	sne.s32 s2, $0x0  }
0xc5: {  	s3 =	rddreg [dreg:$0x2];
	[bflag:$0x3] =	sbarrier.arrive $0xFFFF;
	s2 =	simm.s32 @!p0 $0x1C05  }
0xc6: {  	[timem:s3], [sflag:s2] =	dma.local @!p0 [hbm:s0], s1  }
0xc7: {  	s0 =	simm.s32 @!p0 $0x5  }
0xc8: {  	_ =	swait.ge @!p0 [sflag:s0], s1  }
0xc9: {  	s1 =	ssub.s32 @!p0 $0x0, s1;
	[sflag:s0] =	ssyncset.done @!p0 $0x0  }
0xca: {  	[sflag:s0] =	ssyncadd.s32 @!p0 s1  }
0xcb: {  	[bflag:$0x3] =	sbarrier.arrive $0xFFFF  }
0xcc: {  	_ =	shalt  }

</sc_bundles>
